<compile_context>
chip_gen: v7x
topology: tpu7x:2x2x1
jax: 0.10.2.dev20260603
libtpu: 0.0.44.dev20260713+nightly
codegen_flags: <defaults>
</compile_context>

<pallas_src>
import functools

import jax
import jax.numpy as jnp
from jax import lax
from jax.experimental import pallas as pl
from jax.experimental.pallas import tpu as pltpu
from jax.experimental.pallas import tpu_sc as plsc

NC = 2
NS = 16
NW = NC * NS
LANES = 16
UNROLL = 8

S_SC = 512
BS = 1792


def _sc_part(x, pos_emb):
    B, S_full, D = x.shape
    base = S_full - S_SC
    RW = S_SC // NW
    CW = RW * D
    NSTEP = B

    xf = x.reshape(B * S_full * D)
    pf = pos_emb.reshape(-1)

    mesh = plsc.VectorSubcoreMesh(core_axis_name="c", subcore_axis_name="s")

    @functools.partial(
        pl.kernel,
        out_type=jax.ShapeDtypeStruct((B * S_SC * D,), jnp.float32),
        mesh=mesh,
        scratch_types=(
            [pltpu.VMEM((CW,), jnp.float32) for _ in range(3)]
            + [pltpu.SemaphoreType.DMA for _ in range(5)]
        ),
    )
    def run(x_hbm, pos_hbm, out_hbm,
            xb0, xb1, pb,
            si0, si1, so0, so1, sp):
        xbufs = [xb0, xb1]
        sin = [si0, si1]
        sout = [so0, so1]

        c = lax.axis_index("c")
        s = lax.axis_index("s")
        wid = s * NC + c
        seq0 = base + wid * RW

        def xoff(b):
            return (b * S_full + seq0) * D

        def ooff(b):
            return (b * S_SC + wid * RW) * D

        def start_xload(b):
            return pltpu.async_copy(
                x_hbm.at[pl.ds(xoff(b), CW)], xbufs[b % 2], sin[b % 2])

        pload = pltpu.async_copy(pos_hbm.at[pl.ds(seq0 * D, CW)], pb, sp)
        xloads = {0: start_xload(0), 1: start_xload(1)}
        stores = {}
        pload.wait()

        for b in range(NSTEP):
            xb = xbufs[b % 2]
            xloads[b].wait()

            def vbody(j, carry):
                for u in range(UNROLL):
                    sl = pl.ds((j * UNROLL + u) * LANES, LANES)
                    plsc.addupdate(xb.at[sl], pb[sl])
                return carry

            lax.fori_loop(0, CW // (LANES * UNROLL), vbody, 0)

            stores[b] = pltpu.async_copy(
                xb, out_hbm.at[pl.ds(ooff(b), CW)], sout[b % 2])

            if b + 2 < NSTEP:
                stores.pop(b).wait()
                xloads[b + 2] = start_xload(b + 2)

        for st in stores.values():
            st.wait()

    return run(xf, pf).reshape(B, S_SC, D)


def _tc_add_kernel(x_ref, p_ref, o_ref):
    o_ref[...] = x_ref[...] + p_ref[...]


def _tc_part(x, pos_emb):
    B, S, D = x.shape
    nblk = (S - S_SC) // BS

    return pl.pallas_call(
        _tc_add_kernel,
        grid=(nblk, B),
        in_specs=[
            pl.BlockSpec((1, BS, D), lambda i, b: (b, i, 0)),
            pl.BlockSpec((BS, D), lambda i, b: (i, 0)),
        ],
        out_specs=pl.BlockSpec((1, BS, D), lambda i, b: (b, i, 0)),
        out_shape=jax.ShapeDtypeStruct((B, S, D), jnp.float32),
    )(x, pos_emb)


def kernel(x, pos_emb):
    B, S, D = x.shape
    sc = _sc_part(x, pos_emb)
    big = _tc_part(x, pos_emb)
    return lax.dynamic_update_slice(big, sc, (0, S - S_SC, 0))

# --- scband reference (transcript-rebuilt; emitter-appended) ---
"""Pipeline reference for scband-learned-positional-encoding-22866405884447 (READ-ONLY COPY).

The authoritative reference and input builder live on the scoring server;
editing this copy changes nothing except your own understanding.
"""

import jax, jax.numpy as jnp
import numpy as np

D_MODEL = 1024
MAX_LEN = 4096
BATCH = 4
SEQ_LEN = 4096


def setup_inputs(seed: int = 0) -> dict:
    key = jax.random.key(seed)
    k_x, k_emb = jax.random.split(key)
    x = jax.random.normal(k_x, (BATCH, SEQ_LEN, D_MODEL), dtype=jnp.float32)
    # nn.Embedding default init: N(0, 1)
    pos_emb = jax.random.normal(k_emb, (MAX_LEN, D_MODEL), dtype=jnp.float32)
    return {"x": x, "pos_emb": pos_emb}


def reference(x, pos_emb):
    # positions = arange(0, x.size(1)).unsqueeze(0) -> [1, S]
    positions = jnp.arange(0, x.shape[1], dtype=jnp.int32)[None, :]
    # embedding lookup: gather rows of pos_emb -> [1, S, d_model]
    positional_encoding = jnp.take(pos_emb, positions, axis=0)
    return x + positional_encoding

if __name__ == "__main__":
    import jax
    _d = setup_inputs()
    print(jax.jit(kernel)(*tuple(_d.values())))

</pallas_src>

<mosaic_0001>
#map = affine_map<(d0, d1) -> (0)>
module attributes {stable_mosaic.version = 14 : i64} {
  func.func @run(%arg0: i32, %arg1: i32, %arg2: memref<16777216xf32, #tpu.memory_space<hbm>>, %arg3: memref<4194304xf32, #tpu.memory_space<hbm>>, %arg4: memref<2097152xf32, #tpu.memory_space<hbm>>, %arg5: memref<16384xf32, #tpu.memory_space<vmem>>, %arg6: memref<16384xf32, #tpu.memory_space<vmem>>, %arg7: memref<16384xf32, #tpu.memory_space<vmem>>, %arg8: memref<!tpu.dma_semaphore, #tpu.memory_space<semaphore_mem>>, %arg9: memref<!tpu.dma_semaphore, #tpu.memory_space<semaphore_mem>>, %arg10: memref<!tpu.dma_semaphore, #tpu.memory_space<semaphore_mem>>, %arg11: memref<!tpu.dma_semaphore, #tpu.memory_space<semaphore_mem>>, %arg12: memref<!tpu.dma_semaphore, #tpu.memory_space<semaphore_mem>>) attributes {dimension_semantics = [#tpu.dimension_semantics<core_parallel>, #tpu.dimension_semantics<subcore_parallel>], iteration_bounds = array<i64: 2, 16>, scalar_prefetch = 0 : i64, scratch_operands = 8 : i64, tpu.core_type = #tpu.core_type<sc_vector_subcore>, window_params = [{transform_indices = #map}, {transform_indices = #map}, {transform_indices = #map}]} {
    %mul3A = arith.constant 2 : i32
    %mul3A_0 = arith.muli %arg1, %mul3A : i32
    %add3A = arith.addi %mul3A_0, %arg0 : i32
    %mul3A_1 = arith.constant 16 : i32
    %mul3A_2 = arith.muli %add3A, %mul3A_1 : i32
    %add3A_3 = arith.constant 3584 : i32
    %add3A_4 = arith.addi %add3A_3, %mul3A_2 : i32
    %mul3A_5 = arith.constant 1024 : i32
    %mul3A_6 = arith.muli %add3A_4, %mul3A_5 : i32
    %dma_start3A = tpu.memref_slice %arg3[%mul3A_6] : memref<4194304xf32, #tpu.memory_space<hbm>> -> memref<16384xf32, #tpu.memory_space<hbm>>
    %dma_start3A_7 = tpu.memref_slice %arg3[%mul3A_6] : memref<4194304xf32, #tpu.memory_space<hbm>> -> memref<16384xf32, #tpu.memory_space<hbm>>
    tpu.enqueue_dma source(%dma_start3A_7 : memref<16384xf32, #tpu.memory_space<hbm>>) target(%arg7 : memref<16384xf32, #tpu.memory_space<vmem>>) target_semaphore(%arg12 : memref<!tpu.dma_semaphore, #tpu.memory_space<semaphore_mem>>)
    %add3A_8 = arith.constant 0 : i32
    %add3A_9 = arith.addi %add3A_8, %add3A_4 : i32
    %mul3A_10 = arith.constant 1024 : i32
    %mul3A_11 = arith.muli %add3A_9, %mul3A_10 : i32
    %dma_start3A_12 = tpu.memref_slice %arg2[%mul3A_11] : memref<16777216xf32, #tpu.memory_space<hbm>> -> memref<16384xf32, #tpu.memory_space<hbm>>
    %dma_start3A_13 = tpu.memref_slice %arg2[%mul3A_11] : memref<16777216xf32, #tpu.memory_space<hbm>> -> memref<16384xf32, #tpu.memory_space<hbm>>
    tpu.enqueue_dma source(%dma_start3A_13 : memref<16384xf32, #tpu.memory_space<hbm>>) target(%arg5 : memref<16384xf32, #tpu.memory_space<vmem>>) target_semaphore(%arg8 : memref<!tpu.dma_semaphore, #tpu.memory_space<semaphore_mem>>)
    %add3A_14 = arith.constant 4096 : i32
    %add3A_15 = arith.addi %add3A_14, %add3A_4 : i32
    %mul3A_16 = arith.constant 1024 : i32
    %mul3A_17 = arith.muli %add3A_15, %mul3A_16 : i32
    %dma_start3A_18 = tpu.memref_slice %arg2[%mul3A_17] : memref<16777216xf32, #tpu.memory_space<hbm>> -> memref<16384xf32, #tpu.memory_space<hbm>>
    %dma_start3A_19 = tpu.memref_slice %arg2[%mul3A_17] : memref<16777216xf32, #tpu.memory_space<hbm>> -> memref<16384xf32, #tpu.memory_space<hbm>>
    tpu.enqueue_dma source(%dma_start3A_19 : memref<16384xf32, #tpu.memory_space<hbm>>) target(%arg6 : memref<16384xf32, #tpu.memory_space<vmem>>) target_semaphore(%arg9 : memref<!tpu.dma_semaphore, #tpu.memory_space<semaphore_mem>>)
    %dma_wait3A = tpu.memref_slice %arg3[%mul3A_6] : memref<4194304xf32, #tpu.memory_space<hbm>> -> memref<16384xf32, #tpu.memory_space<hbm>>
    %dma_wait3A_20 = tpu.memref_slice %arg3[%mul3A_6] : memref<4194304xf32, #tpu.memory_space<hbm>> -> memref<16384xf32, #tpu.memory_space<hbm>>
    tpu.wait_dma2 semaphore(%arg12 : memref<!tpu.dma_semaphore, #tpu.memory_space<semaphore_mem>>) src(%dma_wait3A_20 : memref<16384xf32, #tpu.memory_space<hbm>>) dst(%arg7 : memref<16384xf32, #tpu.memory_space<vmem>>)
    %dma_wait3A_21 = tpu.memref_slice %arg2[%mul3A_11] : memref<16777216xf32, #tpu.memory_space<hbm>> -> memref<16384xf32, #tpu.memory_space<hbm>>
    %dma_wait3A_22 = tpu.memref_slice %arg2[%mul3A_11] : memref<16777216xf32, #tpu.memory_space<hbm>> -> memref<16384xf32, #tpu.memory_space<hbm>>
    tpu.wait_dma2 semaphore(%arg8 : memref<!tpu.dma_semaphore, #tpu.memory_space<semaphore_mem>>) src(%dma_wait3A_22 : memref<16384xf32, #tpu.memory_space<hbm>>) dst(%arg5 : memref<16384xf32, #tpu.memory_space<vmem>>)
    %scan3A = arith.constant 0 : i32
    %scan3A_23 = arith.constant 0 : i32
    %scan3A_24 = arith.constant 128 : i32
    %scan3A_25 = arith.addi %scan3A_23, %scan3A_24 : i32
    %scan3A_26 = arith.constant 1 : i32
    scf.for %scan3A_104 = %scan3A_23 to %scan3A_25 step %scan3A_26  : i32 {
      %mul3A_105 = arith.constant 8 : i32
      %mul3A_106 = arith.muli %scan3A_104, %mul3A_105 : i32
      %add3A_107 = arith.constant 0 : i32
      %add3A_108 = arith.addi %mul3A_106, %add3A_107 : i32
      %mul3A_109 = arith.constant 16 : i32
      %mul3A_110 = arith.muli %add3A_108, %mul3A_109 : i32
      %get3A = arith.index_cast %mul3A_110 : i32 to index
      %get3A_111 = tpu.vector_load %arg7[%get3A] {strides = array<i32>} : memref<16384xf32, #tpu.memory_space<vmem>>, vector<16xf32>,
      %get3A_112 = vector.shape_cast %get3A_111 : vector<16xf32> to vector<16xf32>
      %swap3A = arith.index_cast %mul3A_110 : i32 to index
      %swap3A_113 = tpu.vector_load %arg5[%swap3A] {strides = array<i32>} : memref<16384xf32, #tpu.memory_space<vmem>>, vector<16xf32>,
      %swap3A_114 = vector.shape_cast %swap3A_113 : vector<16xf32> to vector<16xf32>
      %swap3A_115 = vector.shape_cast %get3A_112 : vector<16xf32> to vector<16xf32>
      tpu.vector_store %arg5[%swap3A], %swap3A_115 {add = true, strides = array<i32>} : memref<16384xf32, #tpu.memory_space<vmem>>, vector<16xf32>,
      %mul3A_116 = arith.constant 8 : i32
      %mul3A_117 = arith.muli %scan3A_104, %mul3A_116 : i32
      %add3A_118 = arith.constant 1 : i32
      %add3A_119 = arith.addi %mul3A_117, %add3A_118 : i32
      %mul3A_120 = arith.constant 16 : i32
      %mul3A_121 = arith.muli %add3A_119, %mul3A_120 : i32
      %get3A_122 = arith.index_cast %mul3A_121 : i32 to index
      %get3A_123 = tpu.vector_load %arg7[%get3A_122] {strides = array<i32>} : memref<16384xf32, #tpu.memory_space<vmem>>, vector<16xf32>,
      %get3A_124 = vector.shape_cast %get3A_123 : vector<16xf32> to vector<16xf32>
      %swap3A_125 = arith.index_cast %mul3A_121 : i32 to index
      %swap3A_126 = tpu.vector_load %arg5[%swap3A_125] {strides = array<i32>} : memref<16384xf32, #tpu.memory_space<vmem>>, vector<16xf32>,
      %swap3A_127 = vector.shape_cast %swap3A_126 : vector<16xf32> to vector<16xf32>
      %swap3A_128 = vector.shape_cast %get3A_124 : vector<16xf32> to vector<16xf32>
      tpu.vector_store %arg5[%swap3A_125], %swap3A_128 {add = true, strides = array<i32>} : memref<16384xf32, #tpu.memory_space<vmem>>, vector<16xf32>,
      %mul3A_129 = arith.constant 8 : i32
      %mul3A_130 = arith.muli %scan3A_104, %mul3A_129 : i32
      %add3A_131 = arith.constant 2 : i32
      %add3A_132 = arith.addi %mul3A_130, %add3A_131 : i32
      %mul3A_133 = arith.constant 16 : i32
      %mul3A_134 = arith.muli %add3A_132, %mul3A_133 : i32
      %get3A_135 = arith.index_cast %mul3A_134 : i32 to index
      %get3A_136 = tpu.vector_load %arg7[%get3A_135] {strides = array<i32>} : memref<16384xf32, #tpu.memory_space<vmem>>, vector<16xf32>,
      %get3A_137 = vector.shape_cast %get3A_136 : vector<16xf32> to vector<16xf32>
      %swap3A_138 = arith.index_cast %mul3A_134 : i32 to index
      %swap3A_139 = tpu.vector_load %arg5[%swap3A_138] {strides = array<i32>} : memref<16384xf32, #tpu.memory_space<vmem>>, vector<16xf32>,
      %swap3A_140 = vector.shape_cast %swap3A_139 : vector<16xf32> to vector<16xf32>
      %swap3A_141 = vector.shape_cast %get3A_137 : vector<16xf32> to vector<16xf32>
      tpu.vector_store %arg5[%swap3A_138], %swap3A_141 {add = true, strides = array<i32>} : memref<16384xf32, #tpu.memory_space<vmem>>, vector<16xf32>,
      %mul3A_142 = arith.constant 8 : i32
      %mul3A_143 = arith.muli %scan3A_104, %mul3A_142 : i32
      %add3A_144 = arith.constant 3 : i32
      %add3A_145 = arith.addi %mul3A_143, %add3A_144 : i32
      %mul3A_146 = arith.constant 16 : i32
      %mul3A_147 = arith.muli %add3A_145, %mul3A_146 : i32
      %get3A_148 = arith.index_cast %mul3A_147 : i32 to index
      %get3A_149 = tpu.vector_load %arg7[%get3A_148] {strides = array<i32>} : memref<16384xf32, #tpu.memory_space<vmem>>, vector<16xf32>,
      %get3A_150 = vector.shape_cast %get3A_149 : vector<16xf32> to vector<16xf32>
      %swap3A_151 = arith.index_cast %mul3A_147 : i32 to index
      %swap3A_152 = tpu.vector_load %arg5[%swap3A_151] {strides = array<i32>} : memref<16384xf32, #tpu.memory_space<vmem>>, vector<16xf32>,
      %swap3A_153 = vector.shape_cast %swap3A_152 : vector<16xf32> to vector<16xf32>
      %swap3A_154 = vector.shape_cast %get3A_150 : vector<16xf32> to vector<16xf32>
      tpu.vector_store %arg5[%swap3A_151], %swap3A_154 {add = true, strides = array<i32>} : memref<16384xf32, #tpu.memory_space<vmem>>, vector<16xf32>,
      %mul3A_155 = arith.constant 8 : i32
      %mul3A_156 = arith.muli %scan3A_104, %mul3A_155 : i32
      %add3A_157 = arith.constant 4 : i32
      %add3A_158 = arith.addi %mul3A_156, %add3A_157 : i32
      %mul3A_159 = arith.constant 16 : i32
      %mul3A_160 = arith.muli %add3A_158, %mul3A_159 : i32
      %get3A_161 = arith.index_cast %mul3A_160 : i32 to index
      %get3A_162 = tpu.vector_load %arg7[%get3A_161] {strides = array<i32>} : memref<16384xf32, #tpu.memory_space<vmem>>, vector<16xf32>,
      %get3A_163 = vector.shape_cast %get3A_162 : vector<16xf32> to vector<16xf32>
      %swap3A_164 = arith.index_cast %mul3A_160 : i32 to index
      %swap3A_165 = tpu.vector_load %arg5[%swap3A_164] {strides = array<i32>} : memref<16384xf32, #tpu.memory_space<vmem>>, vector<16xf32>,
      %swap3A_166 = vector.shape_cast %swap3A_165 : vector<16xf32> to vector<16xf32>
      %swap3A_167 = vector.shape_cast %get3A_163 : vector<16xf32> to vector<16xf32>
      tpu.vector_store %arg5[%swap3A_164], %swap3A_167 {add = true, strides = array<i32>} : memref<16384xf32, #tpu.memory_space<vmem>>, vector<16xf32>,
      %mul3A_168 = arith.constant 8 : i32
      %mul3A_169 = arith.muli %scan3A_104, %mul3A_168 : i32
      %add3A_170 = arith.constant 5 : i32
      %add3A_171 = arith.addi %mul3A_169, %add3A_170 : i32
      %mul3A_172 = arith.constant 16 : i32
      %mul3A_173 = arith.muli %add3A_171, %mul3A_172 : i32
      %get3A_174 = arith.index_cast %mul3A_173 : i32 to index
      %get3A_175 = tpu.vector_load %arg7[%get3A_174] {strides = array<i32>} : memref<16384xf32, #tpu.memory_space<vmem>>, vector<16xf32>,
      %get3A_176 = vector.shape_cast %get3A_175 : vector<16xf32> to vector<16xf32>
      %swap3A_177 = arith.index_cast %mul3A_173 : i32 to index
      %swap3A_178 = tpu.vector_load %arg5[%swap3A_177] {strides = array<i32>} : memref<16384xf32, #tpu.memory_space<vmem>>, vector<16xf32>,
      %swap3A_179 = vector.shape_cast %swap3A_178 : vector<16xf32> to vector<16xf32>
      %swap3A_180 = vector.shape_cast %get3A_176 : vector<16xf32> to vector<16xf32>
      tpu.vector_store %arg5[%swap3A_177], %swap3A_180 {add = true, strides = array<i32>} : memref<16384xf32, #tpu.memory_space<vmem>>, vector<16xf32>,
      %mul3A_181 = arith.constant 8 : i32
      %mul3A_182 = arith.muli %scan3A_104, %mul3A_181 : i32
      %add3A_183 = arith.constant 6 : i32
      %add3A_184 = arith.addi %mul3A_182, %add3A_183 : i32
      %mul3A_185 = arith.constant 16 : i32
      %mul3A_186 = arith.muli %add3A_184, %mul3A_185 : i32
      %get3A_187 = arith.index_cast %mul3A_186 : i32 to index
      %get3A_188 = tpu.vector_load %arg7[%get3A_187] {strides = array<i32>} : memref<16384xf32, #tpu.memory_space<vmem>>, vector<16xf32>,
      %get3A_189 = vector.shape_cast %get3A_188 : vector<16xf32> to vector<16xf32>
      %swap3A_190 = arith.index_cast %mul3A_186 : i32 to index
      %swap3A_191 = tpu.vector_load %arg5[%swap3A_190] {strides = array<i32>} : memref<16384xf32, #tpu.memory_space<vmem>>, vector<16xf32>,
      %swap3A_192 = vector.shape_cast %swap3A_191 : vector<16xf32> to vector<16xf32>
      %swap3A_193 = vector.shape_cast %get3A_189 : vector<16xf32> to vector<16xf32>
      tpu.vector_store %arg5[%swap3A_190], %swap3A_193 {add = true, strides = array<i32>} : memref<16384xf32, #tpu.memory_space<vmem>>, vector<16xf32>,
      %mul3A_194 = arith.constant 8 : i32
      %mul3A_195 = arith.muli %scan3A_104, %mul3A_194 : i32
      %add3A_196 = arith.constant 7 : i32
      %add3A_197 = arith.addi %mul3A_195, %add3A_196 : i32
      %mul3A_198 = arith.constant 16 : i32
      %mul3A_199 = arith.muli %add3A_197, %mul3A_198 : i32
      %get3A_200 = arith.index_cast %mul3A_199 : i32 to index
      %get3A_201 = tpu.vector_load %arg7[%get3A_200] {strides = array<i32>} : memref<16384xf32, #tpu.memory_space<vmem>>, vector<16xf32>,
      %get3A_202 = vector.shape_cast %get3A_201 : vector<16xf32> to vector<16xf32>
      %swap3A_203 = arith.index_cast %mul3A_199 : i32 to index
      %swap3A_204 = tpu.vector_load %arg5[%swap3A_203] {strides = array<i32>} : memref<16384xf32, #tpu.memory_space<vmem>>, vector<16xf32>,
      %swap3A_205 = vector.shape_cast %swap3A_204 : vector<16xf32> to vector<16xf32>
      %swap3A_206 = vector.shape_cast %get3A_202 : vector<16xf32> to vector<16xf32>
      tpu.vector_store %arg5[%swap3A_203], %swap3A_206 {add = true, strides = array<i32>} : memref<16384xf32, #tpu.memory_space<vmem>>, vector<16xf32>,
    }
    %scan3A_27 = arith.constant 128 : i32
    %mul3A_28 = arith.constant 16 : i32
    %mul3A_29 = arith.muli %add3A, %mul3A_28 : i32
    %add3A_30 = arith.constant 0 : i32
    %add3A_31 = arith.addi %add3A_30, %mul3A_29 : i32
    %mul3A_32 = arith.constant 1024 : i32
    %mul3A_33 = arith.muli %add3A_31, %mul3A_32 : i32
    %dma_start3A_34 = tpu.memref_slice %arg4[%mul3A_33] : memref<2097152xf32, #tpu.memory_space<hbm>> -> memref<16384xf32, #tpu.memory_space<hbm>>
    %dma_start3A_35 = tpu.memref_slice %arg4[%mul3A_33] : memref<2097152xf32, #tpu.memory_space<hbm>> -> memref<16384xf32, #tpu.memory_space<hbm>>
    tpu.enqueue_dma source(%arg5 : memref<16384xf32, #tpu.memory_space<vmem>>) target(%dma_start3A_35 : memref<16384xf32, #tpu.memory_space<hbm>>) target_semaphore(%arg10 : memref<!tpu.dma_semaphore, #tpu.memory_space<semaphore_mem>>)
    %dma_wait3A_36 = tpu.memref_slice %arg4[%mul3A_33] : memref<2097152xf32, #tpu.memory_space<hbm>> -> memref<16384xf32, #tpu.memory_space<hbm>>
    %dma_wait3A_37 = tpu.memref_slice %arg4[%mul3A_33] : memref<2097152xf32, #tpu.memory_space<hbm>> -> memref<16384xf32, #tpu.memory_space<hbm>>
    tpu.wait_dma2 semaphore(%arg10 : memref<!tpu.dma_semaphore, #tpu.memory_space<semaphore_mem>>) src(%arg5 : memref<16384xf32, #tpu.memory_space<vmem>>) dst(%dma_wait3A_37 : memref<16384xf32, #tpu.memory_space<hbm>>)
    %add3A_38 = arith.constant 8192 : i32
    %add3A_39 = arith.addi %add3A_38, %add3A_4 : i32
    %mul3A_40 = arith.constant 1024 : i32
    %mul3A_41 = arith.muli %add3A_39, %mul3A_40 : i32
    %dma_start3A_42 = tpu.memref_slice %arg2[%mul3A_41] : memref<16777216xf32, #tpu.memory_space<hbm>> -> memref<16384xf32, #tpu.memory_space<hbm>>
    %dma_start3A_43 = tpu.memref_slice %arg2[%mul3A_41] : memref<16777216xf32, #tpu.memory_space<hbm>> -> memref<16384xf32, #tpu.memory_space<hbm>>
    tpu.enqueue_dma source(%dma_start3A_43 : memref<16384xf32, #tpu.memory_space<hbm>>) target(%arg5 : memref<16384xf32, #tpu.memory_space<vmem>>) target_semaphore(%arg8 : memref<!tpu.dma_semaphore, #tpu.memory_space<semaphore_mem>>)
    %dma_wait3A_44 = tpu.memref_slice %arg2[%mul3A_17] : memref<16777216xf32, #tpu.memory_space<hbm>> -> memref<16384xf32, #tpu.memory_space<hbm>>
    %dma_wait3A_45 = tpu.memref_slice %arg2[%mul3A_17] : memref<16777216xf32, #tpu.memory_space<hbm>> -> memref<16384xf32, #tpu.memory_space<hbm>>
    tpu.wait_dma2 semaphore(%arg9 : memref<!tpu.dma_semaphore, #tpu.memory_space<semaphore_mem>>) src(%dma_wait3A_45 : memref<16384xf32, #tpu.memory_space<hbm>>) dst(%arg6 : memref<16384xf32, #tpu.memory_space<vmem>>)
    %scan3A_46 = arith.constant 0 : i32
    %scan3A_47 = arith.constant 0 : i32
    %scan3A_48 = arith.constant 128 : i32
    %scan3A_49 = arith.addi %scan3A_47, %scan3A_48 : i32
    %scan3A_50 = arith.constant 1 : i32
    scf.for %scan3A_104 = %scan3A_47 to %scan3A_49 step %scan3A_50  : i32 {
      %mul3A_105 = arith.constant 8 : i32
      %mul3A_106 = arith.muli %scan3A_104, %mul3A_105 : i32
      %add3A_107 = arith.constant 0 : i32
      %add3A_108 = arith.addi %mul3A_106, %add3A_107 : i32
      %mul3A_109 = arith.constant 16 : i32
      %mul3A_110 = arith.muli %add3A_108, %mul3A_109 : i32
      %get3A = arith.index_cast %mul3A_110 : i32 to index
      %get3A_111 = tpu.vector_load %arg7[%get3A] {strides = array<i32>} : memref<16384xf32, #tpu.memory_space<vmem>>, vector<16xf32>,
      %get3A_112 = vector.shape_cast %get3A_111 : vector<16xf32> to vector<16xf32>
      %swap3A = arith.index_cast %mul3A_110 : i32 to index
      %swap3A_113 = tpu.vector_load %arg6[%swap3A] {strides = array<i32>} : memref<16384xf32, #tpu.memory_space<vmem>>, vector<16xf32>,
      %swap3A_114 = vector.shape_cast %swap3A_113 : vector<16xf32> to vector<16xf32>
      %swap3A_115 = vector.shape_cast %get3A_112 : vector<16xf32> to vector<16xf32>
      tpu.vector_store %arg6[%swap3A], %swap3A_115 {add = true, strides = array<i32>} : memref<16384xf32, #tpu.memory_space<vmem>>, vector<16xf32>,
      %mul3A_116 = arith.constant 8 : i32
      %mul3A_117 = arith.muli %scan3A_104, %mul3A_116 : i32
      %add3A_118 = arith.constant 1 : i32
      %add3A_119 = arith.addi %mul3A_117, %add3A_118 : i32
      %mul3A_120 = arith.constant 16 : i32
      %mul3A_121 = arith.muli %add3A_119, %mul3A_120 : i32
      %get3A_122 = arith.index_cast %mul3A_121 : i32 to index
      %get3A_123 = tpu.vector_load %arg7[%get3A_122] {strides = array<i32>} : memref<16384xf32, #tpu.memory_space<vmem>>, vector<16xf32>,
      %get3A_124 = vector.shape_cast %get3A_123 : vector<16xf32> to vector<16xf32>
      %swap3A_125 = arith.index_cast %mul3A_121 : i32 to index
      %swap3A_126 = tpu.vector_load %arg6[%swap3A_125] {strides = array<i32>} : memref<16384xf32, #tpu.memory_space<vmem>>, vector<16xf32>,
      %swap3A_127 = vector.shape_cast %swap3A_126 : vector<16xf32> to vector<16xf32>
      %swap3A_128 = vector.shape_cast %get3A_124 : vector<16xf32> to vector<16xf32>
      tpu.vector_store %arg6[%swap3A_125], %swap3A_128 {add = true, strides = array<i32>} : memref<16384xf32, #tpu.memory_space<vmem>>, vector<16xf32>,
      %mul3A_129 = arith.constant 8 : i32
      %mul3A_130 = arith.muli %scan3A_104, %mul3A_129 : i32
      %add3A_131 = arith.constant 2 : i32
      %add3A_132 = arith.addi %mul3A_130, %add3A_131 : i32
      %mul3A_133 = arith.constant 16 : i32
      %mul3A_134 = arith.muli %add3A_132, %mul3A_133 : i32
      %get3A_135 = arith.index_cast %mul3A_134 : i32 to index
      %get3A_136 = tpu.vector_load %arg7[%get3A_135] {strides = array<i32>} : memref<16384xf32, #tpu.memory_space<vmem>>, vector<16xf32>,
      %get3A_137 = vector.shape_cast %get3A_136 : vector<16xf32> to vector<16xf32>
      %swap3A_138 = arith.index_cast %mul3A_134 : i32 to index
      %swap3A_139 = tpu.vector_load %arg6[%swap3A_138] {strides = array<i32>} : memref<16384xf32, #tpu.memory_space<vmem>>, vector<16xf32>,
      %swap3A_140 = vector.shape_cast %swap3A_139 : vector<16xf32> to vector<16xf32>
      %swap3A_141 = vector.shape_cast %get3A_137 : vector<16xf32> to vector<16xf32>
      tpu.vector_store %arg6[%swap3A_138], %swap3A_141 {add = true, strides = array<i32>} : memref<16384xf32, #tpu.memory_space<vmem>>, vector<16xf32>,
      %mul3A_142 = arith.constant 8 : i32
      %mul3A_143 = arith.muli %scan3A_104, %mul3A_142 : i32
      %add3A_144 = arith.constant 3 : i32
      %add3A_145 = arith.addi %mul3A_143, %add3A_144 : i32
      %mul3A_146 = arith.constant 16 : i32
      %mul3A_147 = arith.muli %add3A_145, %mul3A_146 : i32
      %get3A_148 = arith.index_cast %mul3A_147 : i32 to index
      %get3A_149 = tpu.vector_load %arg7[%get3A_148] {strides = array<i32>} : memref<16384xf32, #tpu.memory_space<vmem>>, vector<16xf32>,
      %get3A_150 = vector.shape_cast %get3A_149 : vector<16xf32> to vector<16xf32>
      %swap3A_151 = arith.index_cast %mul3A_147 : i32 to index
      %swap3A_152 = tpu.vector_load %arg6[%swap3A_151] {strides = array<i32>} : memref<16384xf32, #tpu.memory_space<vmem>>, vector<16xf32>,
      %swap3A_153 = vector.shape_cast %swap3A_152 : vector<16xf32> to vector<16xf32>
      %swap3A_154 = vector.shape_cast %get3A_150 : vector<16xf32> to vector<16xf32>
      tpu.vector_store %arg6[%swap3A_151], %swap3A_154 {add = true, strides = array<i32>} : memref<16384xf32, #tpu.memory_space<vmem>>, vector<16xf32>,
      %mul3A_155 = arith.constant 8 : i32
      %mul3A_156 = arith.muli %scan3A_104, %mul3A_155 : i32
      %add3A_157 = arith.constant 4 : i32
      %add3A_158 = arith.addi %mul3A_156, %add3A_157 : i32
      %mul3A_159 = arith.constant 16 : i32
      %mul3A_160 = arith.muli %add3A_158, %mul3A_159 : i32
      %get3A_161 = arith.index_cast %mul3A_160 : i32 to index
      %get3A_162 = tpu.vector_load %arg7[%get3A_161] {strides = array<i32>} : memref<16384xf32, #tpu.memory_space<vmem>>, vector<16xf32>,
      %get3A_163 = vector.shape_cast %get3A_162 : vector<16xf32> to vector<16xf32>
      %swap3A_164 = arith.index_cast %mul3A_160 : i32 to index
      %swap3A_165 = tpu.vector_load %arg6[%swap3A_164] {strides = array<i32>} : memref<16384xf32, #tpu.memory_space<vmem>>, vector<16xf32>,
      %swap3A_166 = vector.shape_cast %swap3A_165 : vector<16xf32> to vector<16xf32>
      %swap3A_167 = vector.shape_cast %get3A_163 : vector<16xf32> to vector<16xf32>
      tpu.vector_store %arg6[%swap3A_164], %swap3A_167 {add = true, strides = array<i32>} : memref<16384xf32, #tpu.memory_space<vmem>>, vector<16xf32>,
      %mul3A_168 = arith.constant 8 : i32
      %mul3A_169 = arith.muli %scan3A_104, %mul3A_168 : i32
      %add3A_170 = arith.constant 5 : i32
      %add3A_171 = arith.addi %mul3A_169, %add3A_170 : i32
      %mul3A_172 = arith.constant 16 : i32
      %mul3A_173 = arith.muli %add3A_171, %mul3A_172 : i32
      %get3A_174 = arith.index_cast %mul3A_173 : i32 to index
      %get3A_175 = tpu.vector_load %arg7[%get3A_174] {strides = array<i32>} : memref<16384xf32, #tpu.memory_space<vmem>>, vector<16xf32>,
      %get3A_176 = vector.shape_cast %get3A_175 : vector<16xf32> to vector<16xf32>
      %swap3A_177 = arith.index_cast %mul3A_173 : i32 to index
      %swap3A_178 = tpu.vector_load %arg6[%swap3A_177] {strides = array<i32>} : memref<16384xf32, #tpu.memory_space<vmem>>, vector<16xf32>,
      %swap3A_179 = vector.shape_cast %swap3A_178 : vector<16xf32> to vector<16xf32>
      %swap3A_180 = vector.shape_cast %get3A_176 : vector<16xf32> to vector<16xf32>
      tpu.vector_store %arg6[%swap3A_177], %swap3A_180 {add = true, strides = array<i32>} : memref<16384xf32, #tpu.memory_space<vmem>>, vector<16xf32>,
      %mul3A_181 = arith.constant 8 : i32
      %mul3A_182 = arith.muli %scan3A_104, %mul3A_181 : i32
      %add3A_183 = arith.constant 6 : i32
      %add3A_184 = arith.addi %mul3A_182, %add3A_183 : i32
      %mul3A_185 = arith.constant 16 : i32
      %mul3A_186 = arith.muli %add3A_184, %mul3A_185 : i32
      %get3A_187 = arith.index_cast %mul3A_186 : i32 to index
      %get3A_188 = tpu.vector_load %arg7[%get3A_187] {strides = array<i32>} : memref<16384xf32, #tpu.memory_space<vmem>>, vector<16xf32>,
      %get3A_189 = vector.shape_cast %get3A_188 : vector<16xf32> to vector<16xf32>
      %swap3A_190 = arith.index_cast %mul3A_186 : i32 to index
      %swap3A_191 = tpu.vector_load %arg6[%swap3A_190] {strides = array<i32>} : memref<16384xf32, #tpu.memory_space<vmem>>, vector<16xf32>,
      %swap3A_192 = vector.shape_cast %swap3A_191 : vector<16xf32> to vector<16xf32>
      %swap3A_193 = vector.shape_cast %get3A_189 : vector<16xf32> to vector<16xf32>
      tpu.vector_store %arg6[%swap3A_190], %swap3A_193 {add = true, strides = array<i32>} : memref<16384xf32, #tpu.memory_space<vmem>>, vector<16xf32>,
      %mul3A_194 = arith.constant 8 : i32
      %mul3A_195 = arith.muli %scan3A_104, %mul3A_194 : i32
      %add3A_196 = arith.constant 7 : i32
      %add3A_197 = arith.addi %mul3A_195, %add3A_196 : i32
      %mul3A_198 = arith.constant 16 : i32
      %mul3A_199 = arith.muli %add3A_197, %mul3A_198 : i32
      %get3A_200 = arith.index_cast %mul3A_199 : i32 to index
      %get3A_201 = tpu.vector_load %arg7[%get3A_200] {strides = array<i32>} : memref<16384xf32, #tpu.memory_space<vmem>>, vector<16xf32>,
      %get3A_202 = vector.shape_cast %get3A_201 : vector<16xf32> to vector<16xf32>
      %swap3A_203 = arith.index_cast %mul3A_199 : i32 to index
      %swap3A_204 = tpu.vector_load %arg6[%swap3A_203] {strides = array<i32>} : memref<16384xf32, #tpu.memory_space<vmem>>, vector<16xf32>,
      %swap3A_205 = vector.shape_cast %swap3A_204 : vector<16xf32> to vector<16xf32>
      %swap3A_206 = vector.shape_cast %get3A_202 : vector<16xf32> to vector<16xf32>
      tpu.vector_store %arg6[%swap3A_203], %swap3A_206 {add = true, strides = array<i32>} : memref<16384xf32, #tpu.memory_space<vmem>>, vector<16xf32>,
    }
    %scan3A_51 = arith.constant 128 : i32
    %mul3A_52 = arith.constant 16 : i32
    %mul3A_53 = arith.muli %add3A, %mul3A_52 : i32
    %add3A_54 = arith.constant 512 : i32
    %add3A_55 = arith.addi %add3A_54, %mul3A_53 : i32
    %mul3A_56 = arith.constant 1024 : i32
    %mul3A_57 = arith.muli %add3A_55, %mul3A_56 : i32
    %dma_start3A_58 = tpu.memref_slice %arg4[%mul3A_57] : memref<2097152xf32, #tpu.memory_space<hbm>> -> memref<16384xf32, #tpu.memory_space<hbm>>
    %dma_start3A_59 = tpu.memref_slice %arg4[%mul3A_57] : memref<2097152xf32, #tpu.memory_space<hbm>> -> memref<16384xf32, #tpu.memory_space<hbm>>
    tpu.enqueue_dma source(%arg6 : memref<16384xf32, #tpu.memory_space<vmem>>) target(%dma_start3A_59 : memref<16384xf32, #tpu.memory_space<hbm>>) target_semaphore(%arg11 : memref<!tpu.dma_semaphore, #tpu.memory_space<semaphore_mem>>)
    %dma_wait3A_60 = tpu.memref_slice %arg4[%mul3A_57] : memref<2097152xf32, #tpu.memory_space<hbm>> -> memref<16384xf32, #tpu.memory_space<hbm>>
    %dma_wait3A_61 = tpu.memref_slice %arg4[%mul3A_57] : memref<2097152xf32, #tpu.memory_space<hbm>> -> memref<16384xf32, #tpu.memory_space<hbm>>
    tpu.wait_dma2 semaphore(%arg11 : memref<!tpu.dma_semaphore, #tpu.memory_space<semaphore_mem>>) src(%arg6 : memref<16384xf32, #tpu.memory_space<vmem>>) dst(%dma_wait3A_61 : memref<16384xf32, #tpu.memory_space<hbm>>)
    %add3A_62 = arith.constant 12288 : i32
    %add3A_63 = arith.addi %add3A_62, %add3A_4 : i32
    %mul3A_64 = arith.constant 1024 : i32
    %mul3A_65 = arith.muli %add3A_63, %mul3A_64 : i32
    %dma_start3A_66 = tpu.memref_slice %arg2[%mul3A_65] : memref<16777216xf32, #tpu.memory_space<hbm>> -> memref<16384xf32, #tpu.memory_space<hbm>>
    %dma_start3A_67 = tpu.memref_slice %arg2[%mul3A_65] : memref<16777216xf32, #tpu.memory_space<hbm>> -> memref<16384xf32, #tpu.memory_space<hbm>>
    tpu.enqueue_dma source(%dma_start3A_67 : memref<16384xf32, #tpu.memory_space<hbm>>) target(%arg6 : memref<16384xf32, #tpu.memory_space<vmem>>) target_semaphore(%arg9 : memref<!tpu.dma_semaphore, #tpu.memory_space<semaphore_mem>>)
    %dma_wait3A_68 = tpu.memref_slice %arg2[%mul3A_41] : memref<16777216xf32, #tpu.memory_space<hbm>> -> memref<16384xf32, #tpu.memory_space<hbm>>
    %dma_wait3A_69 = tpu.memref_slice %arg2[%mul3A_41] : memref<16777216xf32, #tpu.memory_space<hbm>> -> memref<16384xf32, #tpu.memory_space<hbm>>
    tpu.wait_dma2 semaphore(%arg8 : memref<!tpu.dma_semaphore, #tpu.memory_space<semaphore_mem>>) src(%dma_wait3A_69 : memref<16384xf32, #tpu.memory_space<hbm>>) dst(%arg5 : memref<16384xf32, #tpu.memory_space<vmem>>)
    %scan3A_70 = arith.constant 0 : i32
    %scan3A_71 = arith.constant 0 : i32
    %scan3A_72 = arith.constant 128 : i32
    %scan3A_73 = arith.addi %scan3A_71, %scan3A_72 : i32
    %scan3A_74 = arith.constant 1 : i32
    scf.for %scan3A_104 = %scan3A_71 to %scan3A_73 step %scan3A_74  : i32 {
      %mul3A_105 = arith.constant 8 : i32
      %mul3A_106 = arith.muli %scan3A_104, %mul3A_105 : i32
      %add3A_107 = arith.constant 0 : i32
      %add3A_108 = arith.addi %mul3A_106, %add3A_107 : i32
      %mul3A_109 = arith.constant 16 : i32
      %mul3A_110 = arith.muli %add3A_108, %mul3A_109 : i32
      %get3A = arith.index_cast %mul3A_110 : i32 to index
      %get3A_111 = tpu.vector_load %arg7[%get3A] {strides = array<i32>} : memref<16384xf32, #tpu.memory_space<vmem>>, vector<16xf32>,
      %get3A_112 = vector.shape_cast %get3A_111 : vector<16xf32> to vector<16xf32>
      %swap3A = arith.index_cast %mul3A_110 : i32 to index
      %swap3A_113 = tpu.vector_load %arg5[%swap3A] {strides = array<i32>} : memref<16384xf32, #tpu.memory_space<vmem>>, vector<16xf32>,
      %swap3A_114 = vector.shape_cast %swap3A_113 : vector<16xf32> to vector<16xf32>
      %swap3A_115 = vector.shape_cast %get3A_112 : vector<16xf32> to vector<16xf32>
      tpu.vector_store %arg5[%swap3A], %swap3A_115 {add = true, strides = array<i32>} : memref<16384xf32, #tpu.memory_space<vmem>>, vector<16xf32>,
      %mul3A_116 = arith.constant 8 : i32
      %mul3A_117 = arith.muli %scan3A_104, %mul3A_116 : i32
      %add3A_118 = arith.constant 1 : i32
      %add3A_119 = arith.addi %mul3A_117, %add3A_118 : i32
      %mul3A_120 = arith.constant 16 : i32
      %mul3A_121 = arith.muli %add3A_119, %mul3A_120 : i32
      %get3A_122 = arith.index_cast %mul3A_121 : i32 to index
      %get3A_123 = tpu.vector_load %arg7[%get3A_122] {strides = array<i32>} : memref<16384xf32, #tpu.memory_space<vmem>>, vector<16xf32>,
      %get3A_124 = vector.shape_cast %get3A_123 : vector<16xf32> to vector<16xf32>
      %swap3A_125 = arith.index_cast %mul3A_121 : i32 to index
      %swap3A_126 = tpu.vector_load %arg5[%swap3A_125] {strides = array<i32>} : memref<16384xf32, #tpu.memory_space<vmem>>, vector<16xf32>,
      %swap3A_127 = vector.shape_cast %swap3A_126 : vector<16xf32> to vector<16xf32>
      %swap3A_128 = vector.shape_cast %get3A_124 : vector<16xf32> to vector<16xf32>
      tpu.vector_store %arg5[%swap3A_125], %swap3A_128 {add = true, strides = array<i32>} : memref<16384xf32, #tpu.memory_space<vmem>>, vector<16xf32>,
      %mul3A_129 = arith.constant 8 : i32
      %mul3A_130 = arith.muli %scan3A_104, %mul3A_129 : i32
      %add3A_131 = arith.constant 2 : i32
      %add3A_132 = arith.addi %mul3A_130, %add3A_131 : i32
      %mul3A_133 = arith.constant 16 : i32
      %mul3A_134 = arith.muli %add3A_132, %mul3A_133 : i32
      %get3A_135 = arith.index_cast %mul3A_134 : i32 to index
      %get3A_136 = tpu.vector_load %arg7[%get3A_135] {strides = array<i32>} : memref<16384xf32, #tpu.memory_space<vmem>>, vector<16xf32>,
      %get3A_137 = vector.shape_cast %get3A_136 : vector<16xf32> to vector<16xf32>
      %swap3A_138 = arith.index_cast %mul3A_134 : i32 to index
      %swap3A_139 = tpu.vector_load %arg5[%swap3A_138] {strides = array<i32>} : memref<16384xf32, #tpu.memory_space<vmem>>, vector<16xf32>,
      %swap3A_140 = vector.shape_cast %swap3A_139 : vector<16xf32> to vector<16xf32>
      %swap3A_141 = vector.shape_cast %get3A_137 : vector<16xf32> to vector<16xf32>
      tpu.vector_store %arg5[%swap3A_138], %swap3A_141 {add = true, strides = array<i32>} : memref<16384xf32, #tpu.memory_space<vmem>>, vector<16xf32>,
      %mul3A_142 = arith.constant 8 : i32
      %mul3A_143 = arith.muli %scan3A_104, %mul3A_142 : i32
      %add3A_144 = arith.constant 3 : i32
      %add3A_145 = arith.addi %mul3A_143, %add3A_144 : i32
      %mul3A_146 = arith.constant 16 : i32
      %mul3A_147 = arith.muli %add3A_145, %mul3A_146 : i32
      %get3A_148 = arith.index_cast %mul3A_147 : i32 to index
      %get3A_149 = tpu.vector_load %arg7[%get3A_148] {strides = array<i32>} : memref<16384xf32, #tpu.memory_space<vmem>>, vector<16xf32>,
      %get3A_150 = vector.shape_cast %get3A_149 : vector<16xf32> to vector<16xf32>
      %swap3A_151 = arith.index_cast %mul3A_147 : i32 to index
      %swap3A_152 = tpu.vector_load %arg5[%swap3A_151] {strides = array<i32>} : memref<16384xf32, #tpu.memory_space<vmem>>, vector<16xf32>,
      %swap3A_153 = vector.shape_cast %swap3A_152 : vector<16xf32> to vector<16xf32>
      %swap3A_154 = vector.shape_cast %get3A_150 : vector<16xf32> to vector<16xf32>
      tpu.vector_store %arg5[%swap3A_151], %swap3A_154 {add = true, strides = array<i32>} : memref<16384xf32, #tpu.memory_space<vmem>>, vector<16xf32>,
      %mul3A_155 = arith.constant 8 : i32
      %mul3A_156 = arith.muli %scan3A_104, %mul3A_155 : i32
      %add3A_157 = arith.constant 4 : i32
      %add3A_158 = arith.addi %mul3A_156, %add3A_157 : i32
      %mul3A_159 = arith.constant 16 : i32
      %mul3A_160 = arith.muli %add3A_158, %mul3A_159 : i32
      %get3A_161 = arith.index_cast %mul3A_160 : i32 to index
      %get3A_162 = tpu.vector_load %arg7[%get3A_161] {strides = array<i32>} : memref<16384xf32, #tpu.memory_space<vmem>>, vector<16xf32>,
      %get3A_163 = vector.shape_cast %get3A_162 : vector<16xf32> to vector<16xf32>
      %swap3A_164 = arith.index_cast %mul3A_160 : i32 to index
      %swap3A_165 = tpu.vector_load %arg5[%swap3A_164] {strides = array<i32>} : memref<16384xf32, #tpu.memory_space<vmem>>, vector<16xf32>,
      %swap3A_166 = vector.shape_cast %swap3A_165 : vector<16xf32> to vector<16xf32>
      %swap3A_167 = vector.shape_cast %get3A_163 : vector<16xf32> to vector<16xf32>
      tpu.vector_store %arg5[%swap3A_164], %swap3A_167 {add = true, strides = array<i32>} : memref<16384xf32, #tpu.memory_space<vmem>>, vector<16xf32>,
      %mul3A_168 = arith.constant 8 : i32
      %mul3A_169 = arith.muli %scan3A_104, %mul3A_168 : i32
      %add3A_170 = arith.constant 5 : i32
      %add3A_171 = arith.addi %mul3A_169, %add3A_170 : i32
      %mul3A_172 = arith.constant 16 : i32
      %mul3A_173 = arith.muli %add3A_171, %mul3A_172 : i32
      %get3A_174 = arith.index_cast %mul3A_173 : i32 to index
      %get3A_175 = tpu.vector_load %arg7[%get3A_174] {strides = array<i32>} : memref<16384xf32, #tpu.memory_space<vmem>>, vector<16xf32>,
      %get3A_176 = vector.shape_cast %get3A_175 : vector<16xf32> to vector<16xf32>
      %swap3A_177 = arith.index_cast %mul3A_173 : i32 to index
      %swap3A_178 = tpu.vector_load %arg5[%swap3A_177] {strides = array<i32>} : memref<16384xf32, #tpu.memory_space<vmem>>, vector<16xf32>,
      %swap3A_179 = vector.shape_cast %swap3A_178 : vector<16xf32> to vector<16xf32>
      %swap3A_180 = vector.shape_cast %get3A_176 : vector<16xf32> to vector<16xf32>
      tpu.vector_store %arg5[%swap3A_177], %swap3A_180 {add = true, strides = array<i32>} : memref<16384xf32, #tpu.memory_space<vmem>>, vector<16xf32>,
      %mul3A_181 = arith.constant 8 : i32
      %mul3A_182 = arith.muli %scan3A_104, %mul3A_181 : i32
      %add3A_183 = arith.constant 6 : i32
      %add3A_184 = arith.addi %mul3A_182, %add3A_183 : i32
      %mul3A_185 = arith.constant 16 : i32
      %mul3A_186 = arith.muli %add3A_184, %mul3A_185 : i32
      %get3A_187 = arith.index_cast %mul3A_186 : i32 to index
      %get3A_188 = tpu.vector_load %arg7[%get3A_187] {strides = array<i32>} : memref<16384xf32, #tpu.memory_space<vmem>>, vector<16xf32>,
      %get3A_189 = vector.shape_cast %get3A_188 : vector<16xf32> to vector<16xf32>
      %swap3A_190 = arith.index_cast %mul3A_186 : i32 to index
      %swap3A_191 = tpu.vector_load %arg5[%swap3A_190] {strides = array<i32>} : memref<16384xf32, #tpu.memory_space<vmem>>, vector<16xf32>,
      %swap3A_192 = vector.shape_cast %swap3A_191 : vector<16xf32> to vector<16xf32>
      %swap3A_193 = vector.shape_cast %get3A_189 : vector<16xf32> to vector<16xf32>
      tpu.vector_store %arg5[%swap3A_190], %swap3A_193 {add = true, strides = array<i32>} : memref<16384xf32, #tpu.memory_space<vmem>>, vector<16xf32>,
      %mul3A_194 = arith.constant 8 : i32
      %mul3A_195 = arith.muli %scan3A_104, %mul3A_194 : i32
      %add3A_196 = arith.constant 7 : i32
      %add3A_197 = arith.addi %mul3A_195, %add3A_196 : i32
      %mul3A_198 = arith.constant 16 : i32
      %mul3A_199 = arith.muli %add3A_197, %mul3A_198 : i32
      %get3A_200 = arith.index_cast %mul3A_199 : i32 to index
      %get3A_201 = tpu.vector_load %arg7[%get3A_200] {strides = array<i32>} : memref<16384xf32, #tpu.memory_space<vmem>>, vector<16xf32>,
      %get3A_202 = vector.shape_cast %get3A_201 : vector<16xf32> to vector<16xf32>
      %swap3A_203 = arith.index_cast %mul3A_199 : i32 to index
      %swap3A_204 = tpu.vector_load %arg5[%swap3A_203] {strides = array<i32>} : memref<16384xf32, #tpu.memory_space<vmem>>, vector<16xf32>,
      %swap3A_205 = vector.shape_cast %swap3A_204 : vector<16xf32> to vector<16xf32>
      %swap3A_206 = vector.shape_cast %get3A_202 : vector<16xf32> to vector<16xf32>
      tpu.vector_store %arg5[%swap3A_203], %swap3A_206 {add = true, strides = array<i32>} : memref<16384xf32, #tpu.memory_space<vmem>>, vector<16xf32>,
    }
    %scan3A_75 = arith.constant 128 : i32
    %mul3A_76 = arith.constant 16 : i32
    %mul3A_77 = arith.muli %add3A, %mul3A_76 : i32
    %add3A_78 = arith.constant 1024 : i32
    %add3A_79 = arith.addi %add3A_78, %mul3A_77 : i32
    %mul3A_80 = arith.constant 1024 : i32
    %mul3A_81 = arith.muli %add3A_79, %mul3A_80 : i32
    %dma_start3A_82 = tpu.memref_slice %arg4[%mul3A_81] : memref<2097152xf32, #tpu.memory_space<hbm>> -> memref<16384xf32, #tpu.memory_space<hbm>>
    %dma_start3A_83 = tpu.memref_slice %arg4[%mul3A_81] : memref<2097152xf32, #tpu.memory_space<hbm>> -> memref<16384xf32, #tpu.memory_space<hbm>>
    tpu.enqueue_dma source(%arg5 : memref<16384xf32, #tpu.memory_space<vmem>>) target(%dma_start3A_83 : memref<16384xf32, #tpu.memory_space<hbm>>) target_semaphore(%arg10 : memref<!tpu.dma_semaphore, #tpu.memory_space<semaphore_mem>>)
    %dma_wait3A_84 = tpu.memref_slice %arg2[%mul3A_65] : memref<16777216xf32, #tpu.memory_space<hbm>> -> memref<16384xf32, #tpu.memory_space<hbm>>
    %dma_wait3A_85 = tpu.memref_slice %arg2[%mul3A_65] : memref<16777216xf32, #tpu.memory_space<hbm>> -> memref<16384xf32, #tpu.memory_space<hbm>>
    tpu.wait_dma2 semaphore(%arg9 : memref<!tpu.dma_semaphore, #tpu.memory_space<semaphore_mem>>) src(%dma_wait3A_85 : memref<16384xf32, #tpu.memory_space<hbm>>) dst(%arg6 : memref<16384xf32, #tpu.memory_space<vmem>>)
    %scan3A_86 = arith.constant 0 : i32
    %scan3A_87 = arith.constant 0 : i32
    %scan3A_88 = arith.constant 128 : i32
    %scan3A_89 = arith.addi %scan3A_87, %scan3A_88 : i32
    %scan3A_90 = arith.constant 1 : i32
    scf.for %scan3A_104 = %scan3A_87 to %scan3A_89 step %scan3A_90  : i32 {
      %mul3A_105 = arith.constant 8 : i32
      %mul3A_106 = arith.muli %scan3A_104, %mul3A_105 : i32
      %add3A_107 = arith.constant 0 : i32
      %add3A_108 = arith.addi %mul3A_106, %add3A_107 : i32
      %mul3A_109 = arith.constant 16 : i32
      %mul3A_110 = arith.muli %add3A_108, %mul3A_109 : i32
      %get3A = arith.index_cast %mul3A_110 : i32 to index
      %get3A_111 = tpu.vector_load %arg7[%get3A] {strides = array<i32>} : memref<16384xf32, #tpu.memory_space<vmem>>, vector<16xf32>,
      %get3A_112 = vector.shape_cast %get3A_111 : vector<16xf32> to vector<16xf32>
      %swap3A = arith.index_cast %mul3A_110 : i32 to index
      %swap3A_113 = tpu.vector_load %arg6[%swap3A] {strides = array<i32>} : memref<16384xf32, #tpu.memory_space<vmem>>, vector<16xf32>,
      %swap3A_114 = vector.shape_cast %swap3A_113 : vector<16xf32> to vector<16xf32>
      %swap3A_115 = vector.shape_cast %get3A_112 : vector<16xf32> to vector<16xf32>
      tpu.vector_store %arg6[%swap3A], %swap3A_115 {add = true, strides = array<i32>} : memref<16384xf32, #tpu.memory_space<vmem>>, vector<16xf32>,
      %mul3A_116 = arith.constant 8 : i32
      %mul3A_117 = arith.muli %scan3A_104, %mul3A_116 : i32
      %add3A_118 = arith.constant 1 : i32
      %add3A_119 = arith.addi %mul3A_117, %add3A_118 : i32
      %mul3A_120 = arith.constant 16 : i32
      %mul3A_121 = arith.muli %add3A_119, %mul3A_120 : i32
      %get3A_122 = arith.index_cast %mul3A_121 : i32 to index
      %get3A_123 = tpu.vector_load %arg7[%get3A_122] {strides = array<i32>} : memref<16384xf32, #tpu.memory_space<vmem>>, vector<16xf32>,
      %get3A_124 = vector.shape_cast %get3A_123 : vector<16xf32> to vector<16xf32>
      %swap3A_125 = arith.index_cast %mul3A_121 : i32 to index
      %swap3A_126 = tpu.vector_load %arg6[%swap3A_125] {strides = array<i32>} : memref<16384xf32, #tpu.memory_space<vmem>>, vector<16xf32>,
      %swap3A_127 = vector.shape_cast %swap3A_126 : vector<16xf32> to vector<16xf32>
      %swap3A_128 = vector.shape_cast %get3A_124 : vector<16xf32> to vector<16xf32>
      tpu.vector_store %arg6[%swap3A_125], %swap3A_128 {add = true, strides = array<i32>} : memref<16384xf32, #tpu.memory_space<vmem>>, vector<16xf32>,
      %mul3A_129 = arith.constant 8 : i32
      %mul3A_130 = arith.muli %scan3A_104, %mul3A_129 : i32
      %add3A_131 = arith.constant 2 : i32
      %add3A_132 = arith.addi %mul3A_130, %add3A_131 : i32
      %mul3A_133 = arith.constant 16 : i32
      %mul3A_134 = arith.muli %add3A_132, %mul3A_133 : i32
      %get3A_135 = arith.index_cast %mul3A_134 : i32 to index
      %get3A_136 = tpu.vector_load %arg7[%get3A_135] {strides = array<i32>} : memref<16384xf32, #tpu.memory_space<vmem>>, vector<16xf32>,
      %get3A_137 = vector.shape_cast %get3A_136 : vector<16xf32> to vector<16xf32>
      %swap3A_138 = arith.index_cast %mul3A_134 : i32 to index
      %swap3A_139 = tpu.vector_load %arg6[%swap3A_138] {strides = array<i32>} : memref<16384xf32, #tpu.memory_space<vmem>>, vector<16xf32>,
      %swap3A_140 = vector.shape_cast %swap3A_139 : vector<16xf32> to vector<16xf32>
      %swap3A_141 = vector.shape_cast %get3A_137 : vector<16xf32> to vector<16xf32>
      tpu.vector_store %arg6[%swap3A_138], %swap3A_141 {add = true, strides = array<i32>} : memref<16384xf32, #tpu.memory_space<vmem>>, vector<16xf32>,
      %mul3A_142 = arith.constant 8 : i32
      %mul3A_143 = arith.muli %scan3A_104, %mul3A_142 : i32
      %add3A_144 = arith.constant 3 : i32
      %add3A_145 = arith.addi %mul3A_143, %add3A_144 : i32
      %mul3A_146 = arith.constant 16 : i32
      %mul3A_147 = arith.muli %add3A_145, %mul3A_146 : i32
      %get3A_148 = arith.index_cast %mul3A_147 : i32 to index
      %get3A_149 = tpu.vector_load %arg7[%get3A_148] {strides = array<i32>} : memref<16384xf32, #tpu.memory_space<vmem>>, vector<16xf32>,
      %get3A_150 = vector.shape_cast %get3A_149 : vector<16xf32> to vector<16xf32>
      %swap3A_151 = arith.index_cast %mul3A_147 : i32 to index
      %swap3A_152 = tpu.vector_load %arg6[%swap3A_151] {strides = array<i32>} : memref<16384xf32, #tpu.memory_space<vmem>>, vector<16xf32>,
      %swap3A_153 = vector.shape_cast %swap3A_152 : vector<16xf32> to vector<16xf32>
      %swap3A_154 = vector.shape_cast %get3A_150 : vector<16xf32> to vector<16xf32>
      tpu.vector_store %arg6[%swap3A_151], %swap3A_154 {add = true, strides = array<i32>} : memref<16384xf32, #tpu.memory_space<vmem>>, vector<16xf32>,
      %mul3A_155 = arith.constant 8 : i32
      %mul3A_156 = arith.muli %scan3A_104, %mul3A_155 : i32
      %add3A_157 = arith.constant 4 : i32
      %add3A_158 = arith.addi %mul3A_156, %add3A_157 : i32
      %mul3A_159 = arith.constant 16 : i32
      %mul3A_160 = arith.muli %add3A_158, %mul3A_159 : i32
      %get3A_161 = arith.index_cast %mul3A_160 : i32 to index
      %get3A_162 = tpu.vector_load %arg7[%get3A_161] {strides = array<i32>} : memref<16384xf32, #tpu.memory_space<vmem>>, vector<16xf32>,
      %get3A_163 = vector.shape_cast %get3A_162 : vector<16xf32> to vector<16xf32>
      %swap3A_164 = arith.index_cast %mul3A_160 : i32 to index
      %swap3A_165 = tpu.vector_load %arg6[%swap3A_164] {strides = array<i32>} : memref<16384xf32, #tpu.memory_space<vmem>>, vector<16xf32>,
      %swap3A_166 = vector.shape_cast %swap3A_165 : vector<16xf32> to vector<16xf32>
      %swap3A_167 = vector.shape_cast %get3A_163 : vector<16xf32> to vector<16xf32>
      tpu.vector_store %arg6[%swap3A_164], %swap3A_167 {add = true, strides = array<i32>} : memref<16384xf32, #tpu.memory_space<vmem>>, vector<16xf32>,
      %mul3A_168 = arith.constant 8 : i32
      %mul3A_169 = arith.muli %scan3A_104, %mul3A_168 : i32
      %add3A_170 = arith.constant 5 : i32
      %add3A_171 = arith.addi %mul3A_169, %add3A_170 : i32
      %mul3A_172 = arith.constant 16 : i32
      %mul3A_173 = arith.muli %add3A_171, %mul3A_172 : i32
      %get3A_174 = arith.index_cast %mul3A_173 : i32 to index
      %get3A_175 = tpu.vector_load %arg7[%get3A_174] {strides = array<i32>} : memref<16384xf32, #tpu.memory_space<vmem>>, vector<16xf32>,
      %get3A_176 = vector.shape_cast %get3A_175 : vector<16xf32> to vector<16xf32>
      %swap3A_177 = arith.index_cast %mul3A_173 : i32 to index
      %swap3A_178 = tpu.vector_load %arg6[%swap3A_177] {strides = array<i32>} : memref<16384xf32, #tpu.memory_space<vmem>>, vector<16xf32>,
      %swap3A_179 = vector.shape_cast %swap3A_178 : vector<16xf32> to vector<16xf32>
      %swap3A_180 = vector.shape_cast %get3A_176 : vector<16xf32> to vector<16xf32>
      tpu.vector_store %arg6[%swap3A_177], %swap3A_180 {add = true, strides = array<i32>} : memref<16384xf32, #tpu.memory_space<vmem>>, vector<16xf32>,
      %mul3A_181 = arith.constant 8 : i32
      %mul3A_182 = arith.muli %scan3A_104, %mul3A_181 : i32
      %add3A_183 = arith.constant 6 : i32
      %add3A_184 = arith.addi %mul3A_182, %add3A_183 : i32
      %mul3A_185 = arith.constant 16 : i32
      %mul3A_186 = arith.muli %add3A_184, %mul3A_185 : i32
      %get3A_187 = arith.index_cast %mul3A_186 : i32 to index
      %get3A_188 = tpu.vector_load %arg7[%get3A_187] {strides = array<i32>} : memref<16384xf32, #tpu.memory_space<vmem>>, vector<16xf32>,
      %get3A_189 = vector.shape_cast %get3A_188 : vector<16xf32> to vector<16xf32>
      %swap3A_190 = arith.index_cast %mul3A_186 : i32 to index
      %swap3A_191 = tpu.vector_load %arg6[%swap3A_190] {strides = array<i32>} : memref<16384xf32, #tpu.memory_space<vmem>>, vector<16xf32>,
      %swap3A_192 = vector.shape_cast %swap3A_191 : vector<16xf32> to vector<16xf32>
      %swap3A_193 = vector.shape_cast %get3A_189 : vector<16xf32> to vector<16xf32>
      tpu.vector_store %arg6[%swap3A_190], %swap3A_193 {add = true, strides = array<i32>} : memref<16384xf32, #tpu.memory_space<vmem>>, vector<16xf32>,
      %mul3A_194 = arith.constant 8 : i32
      %mul3A_195 = arith.muli %scan3A_104, %mul3A_194 : i32
      %add3A_196 = arith.constant 7 : i32
      %add3A_197 = arith.addi %mul3A_195, %add3A_196 : i32
      %mul3A_198 = arith.constant 16 : i32
      %mul3A_199 = arith.muli %add3A_197, %mul3A_198 : i32
      %get3A_200 = arith.index_cast %mul3A_199 : i32 to index
      %get3A_201 = tpu.vector_load %arg7[%get3A_200] {strides = array<i32>} : memref<16384xf32, #tpu.memory_space<vmem>>, vector<16xf32>,
      %get3A_202 = vector.shape_cast %get3A_201 : vector<16xf32> to vector<16xf32>
      %swap3A_203 = arith.index_cast %mul3A_199 : i32 to index
      %swap3A_204 = tpu.vector_load %arg6[%swap3A_203] {strides = array<i32>} : memref<16384xf32, #tpu.memory_space<vmem>>, vector<16xf32>,
      %swap3A_205 = vector.shape_cast %swap3A_204 : vector<16xf32> to vector<16xf32>
      %swap3A_206 = vector.shape_cast %get3A_202 : vector<16xf32> to vector<16xf32>
      tpu.vector_store %arg6[%swap3A_203], %swap3A_206 {add = true, strides = array<i32>} : memref<16384xf32, #tpu.memory_space<vmem>>, vector<16xf32>,
    }
    %scan3A_91 = arith.constant 128 : i32
    %mul3A_92 = arith.constant 16 : i32
    %mul3A_93 = arith.muli %add3A, %mul3A_92 : i32
    %add3A_94 = arith.constant 1536 : i32
    %add3A_95 = arith.addi %add3A_94, %mul3A_93 : i32
    %mul3A_96 = arith.constant 1024 : i32
    %mul3A_97 = arith.muli %add3A_95, %mul3A_96 : i32
    %dma_start3A_98 = tpu.memref_slice %arg4[%mul3A_97] : memref<2097152xf32, #tpu.memory_space<hbm>> -> memref<16384xf32, #tpu.memory_space<hbm>>
    %dma_start3A_99 = tpu.memref_slice %arg4[%mul3A_97] : memref<2097152xf32, #tpu.memory_space<hbm>> -> memref<16384xf32, #tpu.memory_space<hbm>>
    tpu.enqueue_dma source(%arg6 : memref<16384xf32, #tpu.memory_space<vmem>>) target(%dma_start3A_99 : memref<16384xf32, #tpu.memory_space<hbm>>) target_semaphore(%arg11 : memref<!tpu.dma_semaphore, #tpu.memory_space<semaphore_mem>>)
    %dma_wait3A_100 = tpu.memref_slice %arg4[%mul3A_81] : memref<2097152xf32, #tpu.memory_space<hbm>> -> memref<16384xf32, #tpu.memory_space<hbm>>
    %dma_wait3A_101 = tpu.memref_slice %arg4[%mul3A_81] : memref<2097152xf32, #tpu.memory_space<hbm>> -> memref<16384xf32, #tpu.memory_space<hbm>>
    tpu.wait_dma2 semaphore(%arg10 : memref<!tpu.dma_semaphore, #tpu.memory_space<semaphore_mem>>) src(%arg5 : memref<16384xf32, #tpu.memory_space<vmem>>) dst(%dma_wait3A_101 : memref<16384xf32, #tpu.memory_space<hbm>>)
    %dma_wait3A_102 = tpu.memref_slice %arg4[%mul3A_97] : memref<2097152xf32, #tpu.memory_space<hbm>> -> memref<16384xf32, #tpu.memory_space<hbm>>
    %dma_wait3A_103 = tpu.memref_slice %arg4[%mul3A_97] : memref<2097152xf32, #tpu.memory_space<hbm>> -> memref<16384xf32, #tpu.memory_space<hbm>>
    tpu.wait_dma2 semaphore(%arg11 : memref<!tpu.dma_semaphore, #tpu.memory_space<semaphore_mem>>) src(%arg6 : memref<16384xf32, #tpu.memory_space<vmem>>) dst(%dma_wait3A_103 : memref<16384xf32, #tpu.memory_space<hbm>>)
    return
  }
}

module attributes {stable_mosaic.version = 14 : i64} {
  func.func @_tc_add_kernel(%arg0: i32, %arg1: i32, %arg2: memref<1x1792x1024xf32, #tpu.memory_space<vmem>>, %arg3: memref<1792x1024xf32, #tpu.memory_space<vmem>>, %arg4: memref<1x1792x1024xf32, #tpu.memory_space<vmem>>) attributes {dimension_semantics = [#tpu.dimension_semantics<arbitrary>, #tpu.dimension_semantics<arbitrary>], iteration_bounds = array<i64: 2, 4>, scalar_prefetch = 0 : i64, scratch_operands = 0 : i64, tpu.core_type = #tpu.core_type<tc>, window_params = [{transform_indices = @transform_0, window_bounds = array<i64: 1, 1792, 1024>}, {transform_indices = @transform_1, window_bounds = array<i64: 1792, 1024>}, {transform_indices = @transform_2, window_bounds = array<i64: 1, 1792, 1024>}]} {
    %get3A = arith.constant 0 : index
    %get3A_0 = arith.constant 0 : index
    %get3A_1 = arith.constant 0 : index
    %get3A_2 = vector.load %arg2[%get3A, %get3A_0, %get3A_1] : memref<1x1792x1024xf32, #tpu.memory_space<vmem>>, vector<1x1792x1024xf32>
    %get3A_3 = arith.constant 0 : index
    %get3A_4 = arith.constant 0 : index
    %get3A_5 = vector.load %arg3[%get3A_3, %get3A_4] : memref<1792x1024xf32, #tpu.memory_space<vmem>>, vector<1792x1024xf32>
    %broadcast_in_dim3A = vector.shape_cast %get3A_5 : vector<1792x1024xf32> to vector<1x1792x1024xf32>
    %add3A = arith.addf %get3A_2, %broadcast_in_dim3A : vector<1x1792x1024xf32>
    %swap3A = arith.constant 0 : index
    %swap3A_6 = arith.constant 0 : index
    %swap3A_7 = arith.constant 0 : index
    %swap3A_8 = vector.load %arg4[%swap3A, %swap3A_6, %swap3A_7] : memref<1x1792x1024xf32, #tpu.memory_space<vmem>>, vector<1x1792x1024xf32>
    tpu.vector_store %arg4[%swap3A, %swap3A_6, %swap3A_7], %add3A {strides = array<i32>} : memref<1x1792x1024xf32, #tpu.memory_space<vmem>>, vector<1x1792x1024xf32>,
    return
  }
  func.func @transform_0(%arg0: i32, %arg1: i32) -> (i32, i32, i32) {
    %c0_i32 = arith.constant 0 : i32
    %c0_i32_0 = arith.constant 0 : i32
    return %arg1, %arg0, %c0_i32 : i32, i32, i32
  }
  func.func @transform_1(%arg0: i32, %arg1: i32) -> (i32, i32) {
    %c0_i32 = arith.constant 0 : i32
    %c0_i32_0 = arith.constant 0 : i32
    return %arg0, %c0_i32 : i32, i32
  }
  func.func @transform_2(%arg0: i32, %arg1: i32) -> (i32, i32, i32) {
    %c0_i32 = arith.constant 0 : i32
    %c0_i32_0 = arith.constant 0 : i32
    return %arg1, %arg0, %c0_i32 : i32, i32, i32
  }
}

</mosaic_0001>

<sc_bundles>
// kernel: kernel.4.cloned.1.call-start
scs
__scs_entry_jumppad:
0x0: {  	(pc) =	sbr.rel $0x88, $3  }
0x1: {  	(tag) =	ssettag $0x0;
	lr =	simm.s32 $0x1  }
0x2: {  	[smem:$0x3F9F] =	sst lr;
	_ =	strace $0xD0000000  }
0x3: {  	_ = 	snop  }
0x4: {  	_ = 	snop  }
0x5: {  	_ = 	snop  }
0x6: {  	_ = 	snop  }
0x7: {  	_ = 	snop  }
__scs_overlays_trampoline_lowered:
0x8: {  	[smem:$0x3FAE] =	sst s0  }
0x9: {  	[smem:$0x3FAF] =	sst s1  }
0xa: {  	[smem:$0x3FB0] =	sst s2  }
0xb: {  	[smem:$0x3FB1] =	sst s3  }
0xc: {  	[smem:$0x3FB2] =	sst s4  }
0xd: {  	[smem:$0x3FB3] =	sst s5  }
0xe: {  	[smem:$0x3FB4] =	sst s6  }
0xf: {  	[smem:$0x3FB5] =	sst s7  }
0x10: {  	[smem:$0x3FB6] =	sst s8  }
0x11: {  	[smem:$0x3FB7] =	sst s9;
	s0 =	simm.s32 @!p0 $0x0  }
0x12: {  	s1 =	sld [smem:$0x3F9D];
	s0 =	simm.s32 @p0 $0x1  }
0x13: {  	[smem:$0x3FB8] =	sst s0;
	s0 =	simm.s32 @!p1 $0x0  }
0x14: {  	s2 =	sld [smem:$0x3F9C];
	s0 =	simm.s32 @p1 $0x1  }
0x15: {  	[smem:$0x3FB9] =	sst s0;
	s0 =	simm.s32 @!p2 $0x0  }
0x16: {  	s3 =	sld [smem:$0x3FDB];
	s0 =	simm.s32 @p2 $0x1  }
0x17: {  	s4 =	simm.s32 $0x1BF5;
	[smem:$0x3FBB] =	sst s0  }
0x18: {  	s0 =	sld [smem:$0x3F9E];
	_ =	swait.ge [sflag:s4], $0x0  }
0x19: {  	s7 =	sld [smem:$0x3F9F]  }
0x1a: {  	s8 =	sadd.s32 $0xFFFFE003, lr  }
0x1b: {  	s9 =	sadd.s32 $0xFFFFFEF7, lr;
	s5 =	simm.s32 $0xFFFFFFFF;
	p2 =	slt.u32 s8, $0xFFFFF086  }
0x1c: {  	p1 =	slt.u32 s9, $0xF7A;
	s5 =	simm.s32 @!p2 $0x0  }
0x1d: {  	s5 =	simm.s32 @p1 $0x1;
	p0 =	seq.s32 s7, s2  }
0x1e: {  	s7 =	smul.u32 @!p0 $0xF7A, s2;
	p2 =	seq.s32 @!p0 s5, $0x0  }
0x1f: {  	s9 =	smul.u32 $0xF7A, s1;
	s8 =	simm.s32 @!p0 $0x1BF5;
	p2 =	por !p2, p0  }
0x20: {  	[sflag:s8] =	ssyncset.s32 @!p0 $0xFFFFF086;
	s6 =	sadd.s32 @!p0 s3, s7;
	s7 =	simm.s32 @!p0 $0x108  }
0x21: {  	s3 =	sadd.s32 s3, s9;
	s6 =	sadd.s32 @!p0 $0x88, s6;
	s7 =	simm.s32 @p2 $0x1082  }
0x22: {  	[simem:s7], [sflag:s8] =	dma.local @!p0 [hbm:s6], $0xF7A  }
0x23: {  	s9 =	sor.u32 $0xD0000000, s2;
	s6 =	simm.s32 $0x108;
	_ =	swait.ge @!p0 [sflag:s8], $0x0  }
0x24: {  	s3 =	sadd.s32 $0x88, s3;
	s6 =	simm.s32 @!p1 $0x1082;
	[sflag:s4] =	ssyncset.s32 $0xFFFFF086  }
0x25: {  	[simem:s6], [sflag:s4] =	dma.local [hbm:s3], $0xF7A  }
0x26: {  	[smem:$0x3F9F] =	sst s1;
	(tag) =	ssettag s2;
	_ =	strace s9  }
0x27: {  	s1 =	sld [smem:$0x3FAF]  }
0x28: {  	s2 =	sld [smem:$0x3FB0]  }
0x29: {  	s4 =	sld [smem:$0x3FB2]  }
0x2a: {  	p0 =	seq.s32 s5, $0x0;
	s5 =	sld [smem:$0x3FB3]  }
0x2b: {  	s6 =	sld [smem:$0x3FB4]  }
0x2c: {  	s7 =	sld [smem:$0x3FB5]  }
0x2d: {  	s3 =	simm.s32 $0x108;
	s8 =	sld [smem:$0x3FB6]  }
0x2e: {  	s3 =	simm.s32 @!p0 $0x1082;
	s9 =	sld [smem:$0x3FB7]  }
0x2f: {  	lr =	sadd.s32 s0, s3;
	s0 =	sld [smem:$0x3FAE]  }
0x30: {  	s3 =	sld [smem:$0x3FB1]  }
0x31: {  	[smem:$0x3FBA] =	sst s10  }
0x32: {  	s10 =	sld [smem:$0x3FB8];
	_ =	sdelay $0x3  }
0x33: {  	p0 =	seq.s32 s10, $0x1;
	s10 =	sld [smem:$0x3FBA];
	_ =	sdelay $0x3  }
0x34: {  	[smem:$0x3FBA] =	sst s10  }
0x35: {  	s10 =	sld [smem:$0x3FB9];
	_ =	sdelay $0x3  }
0x36: {  	p1 =	seq.s32 s10, $0x1;
	s10 =	sld [smem:$0x3FBA];
	_ =	sdelay $0x3  }
0x37: {  	[smem:$0x3FBA] =	sst s10  }
0x38: {  	s10 =	sld [smem:$0x3FBB]  }
0x39: {  	_ = 	snop;
	(pc) =	sbr.ind lr, $3  }
0x3a: {  	_ = 	snop  }
0x3b: {  	_ = 	snop  }
0x3c: {  	p2 =	seq.s32 s10, $0x1;
	s10 =	sld [smem:$0x3FBA]  }
0x3d: {  	_ =	shalt  }
0x3e: {  	_ =	shalt  }
0x3f: {  	_ =	shalt  }
0x40: {  	_ =	shalt  }
0x41: {  	_ =	shalt  }
0x42: {  	_ =	shalt  }
0x43: {  	_ =	shalt  }
0x44: {  	_ =	shalt  }
0x45: {  	_ =	shalt  }
0x46: {  	_ =	shalt  }
0x47: {  	_ =	shalt  }
0x48: {  	_ =	shalt  }
0x49: {  	_ =	shalt  }
0x4a: {  	_ =	shalt  }
0x4b: {  	_ =	shalt  }
0x4c: {  	_ =	shalt  }
0x4d: {  	_ =	shalt  }
0x4e: {  	_ =	shalt  }
0x4f: {  	_ =	shalt  }
0x50: {  	_ =	shalt  }
0x51: {  	_ =	shalt  }
0x52: {  	_ =	shalt  }
0x53: {  	_ =	shalt  }
0x54: {  	_ =	shalt  }
0x55: {  	_ =	shalt  }
0x56: {  	_ =	shalt  }
0x57: {  	_ =	shalt  }
0x58: {  	_ =	shalt  }
0x59: {  	_ =	shalt  }
0x5a: {  	_ =	shalt  }
0x5b: {  	_ =	shalt  }
0x5c: {  	_ =	shalt  }
0x5d: {  	_ =	shalt  }
0x5e: {  	_ =	shalt  }
0x5f: {  	_ =	shalt  }
0x60: {  	_ =	shalt  }
0x61: {  	_ =	shalt  }
0x62: {  	_ =	shalt  }
0x63: {  	_ =	shalt  }
0x64: {  	_ =	shalt  }
0x65: {  	_ =	shalt  }
0x66: {  	_ =	shalt  }
0x67: {  	_ =	shalt  }
0x68: {  	_ =	shalt  }
0x69: {  	_ =	shalt  }
0x6a: {  	_ =	shalt  }
0x6b: {  	_ =	shalt  }
0x6c: {  	_ =	shalt  }
0x6d: {  	_ =	shalt  }
0x6e: {  	_ =	shalt  }
0x6f: {  	_ =	shalt  }
0x70: {  	_ =	shalt  }
0x71: {  	_ =	shalt  }
0x72: {  	_ =	shalt  }
0x73: {  	_ =	shalt  }
0x74: {  	_ =	shalt  }
0x75: {  	_ =	shalt  }
0x76: {  	_ =	shalt  }
0x77: {  	_ =	shalt  }
0x78: {  	_ =	shalt  }
0x79: {  	_ =	shalt  }
0x7a: {  	_ =	shalt  }
0x7b: {  	_ =	shalt  }
0x7c: {  	_ =	shalt  }
0x7d: {  	_ =	shalt  }
0x7e: {  	_ =	shalt  }
0x7f: {  	_ =	shalt  }
0x80: {  	_ =	shalt  }
0x81: {  	_ =	shalt  }
0x82: {  	_ =	shalt  }
0x83: {  	_ =	shalt  }
0x84: {  	_ =	shalt  }
0x85: {  	_ =	shalt  }
0x86: {  	_ =	shalt  }
0x87: {  	_ =	shalt  }
.Lfunc_end0:
.L_simem_size_0:
called_computation.1_lowered:
.L_overlay_start_0:
0x88: {  	s2 =	sld [smem:$0x3FD9]  }
0x89: {  	s3 =	sld [smem:$0x3FFE];
	_ =	sdelay $0x1  }
0x8a: {  	s1 =	srdreg.scid  }
0x8b: {  	s0 =	sand.u32 $0x1, s1  }
0x8c: {  	s16 =	sshll.u32 s0, $0xA;
	s2 =	sadd.s32 s3, s2  }
0x8d: {  	s2 =	sadd.s32 s2, s16  }
0x8e: {  	[smem:$0x3FC6] =	sst s2  }
0x8f: {  	_ = 	snop  }
0x90: {  	(tm) =	ssettm $0x1  }
0x91: {  	s17 =	sld [smem:$0x3FFB];
	_ =	sdelay $0x3  }
0x92: {  	_ =	strace s17  }
0x93: {  	s2 =	sld [smem:$0x3FFC];
	_ =	sdelay $0x3  }
0x94: {  	_ =	strace s2  }
0x95: {  	s2 =	sld [smem:$0x3FFD];
	_ =	sdelay $0x3  }
0x96: {  	_ =	strace s2  }
0x97: {  	_ =	strace $0x8FFFFFFF  }
0x98: {  	s18 =	sld [smem:$0x3FDB];
	_ =	sdelay $0x1  }
0x99: {  	s19 =	simm.s32 $_scs_section_size  }
0x9a: {  	s4 =	simm.s32 $_size__tile_overlayer_lowered;
	s5 =	simm.s32 $_tile_overlayer_lowered  }
0x9b: {  	s22 =	simm.s32 $0x1BFF;
	s21 =	sshll.u32 s5, $0x1;
	s2 =	sadd.s32 s19, s18  }
0x9c: {  	s6 =	simm.s32 $0x0;
	s20 =	sshll.u32 s4, $0x1;
	s4 =	sadd.s32 s21, s2  }
0x9d: {  	[timem:s6], [sflag:s22] =	dma.local [hbm:s4], s20  }
0x9e: {  	_ =	swait.ge [sflag:s22], s20  }
0x9f: {  	s3 =	ssub.s32 $0x0, s20;
	[sflag:s22] =	ssyncset.done $0x0  }
0xa0: {  	[sflag:s22] =	ssyncadd.s32 s3;
	_ =	sdelay $0x1  }
0xa1: {  	s23 =	simm.s32 $0x1B8B  }
0xa2: {  	_ =	swait.ge [sflag:s23], $0x1  }
0xa3: {  	[sflag:s23] =	ssyncset.done $0x0  }
0xa4: {  	s25 =	simm.s32 $0x1B8E;
	s24 =	sld [smem:$0x3FFE];
	[sflag:s23] =	ssyncadd.s32 $0xFFFFFFFF  }
0xa5: {  	s26 =	simm.s32 $execute0_lowered;
	[smem:$0x3FD2] =	sst s25  }
0xa6: {  	s4 =	sshll.u32 s26, $0x1;
	_ =	strace $0x80000049;
	[dreg:$0x1] =	wrdreg $0xFFFFFFFF  }
0xa7: {  	s28 =	simm.s32 $_size_execute0_lowered;
	s2 =	sadd.s32 s2, s4;
	[dreg:$0x0] =	wrdreg $0x0  }
0xa8: {  	s4 =	sshll.u32 s28, $0x1;
	[dreg:$0x2] =	wrdreg s2  }
0xa9: {  	[dreg:$0x3] =	wrdreg s4  }
0xaa: {  	[dreg:$0x4] =	wrdreg $0xC0  }
0xab: {  	_ =	task [dreg:s6], $0x5FFFF  }
0xac: {  	[dreg:$0x1] =	wrdreg $0xFFFFFFFF  }
0xad: {  	[dreg:$0x0] =	wrdreg $0x60  }
0xae: {  	[dreg:$0x2] =	wrdreg s24  }
0xaf: {  	[dreg:$0x3] =	wrdreg $0x9  }
0xb0: {  	_ =	task.clear_ibuf [dreg:s6], $0x4FFFF;
	_ =	strace $0x90000049  }
0xb1: {  	s29 =	simm.s32 $0x9;
	_ =	strace $0x8000004B  }
0xb2: {  	_ =	swait.ge [sflag:s29], $0x1  }
0xb3: {  	[sflag:s29] =	ssyncadd.s32 $0xFFFFFFFF  }
0xb4: {  	_ =	strace $0x9000004B  }
0xb5: {  	_ =	sfence  }
0xb6: {  	s30 =	sld [smem:$0x0];
	_ =	sdelay $0x2  }
0xb7: {  	s31 =	sshll.u32 s1, $0xD;
	s1 =	sshrl.u32 s1, $0x2  }
0xb8: {  	s3 =	sand.u32 $0x4000, s31;
	s1 =	sadd.s32 s1, s30  }
0xb9: {  	s0 =	sor.u32 s3, s0;
	s1 =	sshll.u32 s1, $0x11  }
0xba: {  	s0 =	sor.u32 s1, s0  }
0xbb: {  	s0 =	sadd.s32 $0x8F2B, s0  }
0xbc: {  	[sflag:s0] =	ssyncadd.remote.s32 $0x1  }
0xbd: {  	_ =	sfence.sel $0xFFFF  }
0xbe: {  	[dreg:$0x0] =	wrdreg $0xFFFFFFFF;
	(pc) =	sbr.abs _section_cstart, $3  }
0xbf: {  	[dreg:$0x1] =	wrdreg $0xFFFFFFFF  }
0xc0: {  	_ =	task.clear_ibuf [dreg:s6], $0x2FFFF;
	_ =	strace $0x9FFFFFFF  }
0xc1: {  	(tm) =	ssettm $0x7FFFFFFF  }
tec
execute0_lowered:
.L_overlay_start_1:
0x0: {  	(tag) =	ssettag $0x1  }
0x1: {  	s3 =	rddreg [dreg:$0x0];
	s2 =	srdreg.scid  }
0x2: {  	s0 =	rddreg [dreg:$0x1];
	s1 =	stileid.u32  }
0x3: {  	s13 =	simm.s32 $0x8000;
	s14 =	simm.s32 $0x4000;
	s15 =	simm.s32 $0x5  }
0x4: {  	s16 =	simm.s32 $0x1;
	s17 =	simm.s32 $0x3;
	s18 =	simm.s32 $0x2  }
0x5: {  	s19 =	simm.s32 $0x4;
	s20 =	simm.s32 $0x0;
	s4 =	sand.u32 $0x1, s2  }
0x6: {  	s2 =	simm.s32 $0x0;
	s5 =	sshll.u32 s1, $0xC;
	s9 =	sadd.s32 $0xA00, s3  }
0x7: {  	s6 =	sshll.u32 s4, $0xB;
	[smem:$0x7FF] =	sst s2;
	s4 =	ssub.s32 $0x2, s4  }
0x8: {  	s5 =	sor.u32 s6, s5;
	_ =	strace $0x8000004A;
	s7 =	sshrl.u32 s4, $0x1  }
0x9: {  	s10 =	sor.u32 $0x70000, s5;
	s11 =	sadd.s32 s5, s3;
	s8 =	sadd.s32 s5, s9  }
0xa: {  	s12 =	ssub.s32 s4, s7;
	s31 =	sadd.s32 s10, s3;
	s5 =	sadd.s32 $0x280A00, s11  }
0xb: {  	s4 =	sadd.s32 $0xF0000, s8;
	s6 =	sadd.s32 $0x170000, s8;
	s7 =	sadd.s32 $0x290A00, s11  }
0xc: {  	s8 =	sadd.s32 $0x1F0000, s8;
	s9 =	sadd.s32 s9, s10;
	s10 =	sadd.s32 $0x2A0A00, s11  }
0xd: {  	s11 =	sadd.s32 $0x2B0A00, s11;
	s12 =	smax.u32 s12, $0x1;
	s3 =	sadd.s32 $0x200A00, s31  }
.LBB2_1:
0xe: {  	[tilespmem:s13], [sflag:$0x5] =	stream.linear.gather [hbm4b:s3+s2], $0x4000, $0x38;
	[tilespmem:$0xC000] =	vst v63  }
0xf: {  	_ = 	snop  }
0x10: {  	[tilespmem:s2], [sflag:$0x1] =	stream.linear.gather [hbm4b:s9+s2], $0x4000, $0x38;
	[tilespmem:$0xC000] =	vst v63  }
0x11: {  	_ = 	snop  }
0x12: {  	[tilespmem:s14], [sflag:$0x2] =	stream.linear.gather [hbm4b:s4+s2], $0x4000, $0x38;
	[tilespmem:$0xC000] =	vst v63  }
0x13: {  	_ =	swait.ge [sflag:s15], $0x4000  }
0x14: {  	[sflag:s15] =	ssyncset.done $0x0  }
0x15: {  	[sflag:s15] =	ssyncadd.s32 $0xFFFFC000  }
0x16: {  	_ =	swait.ge [sflag:s16], $0x4000  }
0x17: {  	[sflag:s16] =	ssyncset.done $0x0  }
0x18: {  	s21 =	simm.s32 $0x0;
	s22 =	simm.s32 $0x200;
	[sflag:s16] =	ssyncadd.s32 $0xFFFFC000  }
.LBB2_2:
0x19: {  	p0 =	sne.s32 s22, $0xFE00;
	v0 =	vld [tilespmem:s21+$0x8070]  }
0x1a: {  	v1 =	vld [tilespmem:s21+$0x8000]  }
0x1b: {  	v2 =	vld [tilespmem:s21+$0x8010]  }
0x1c: {  	v3 =	vld [tilespmem:s21+$0x8020]  }
0x1d: {  	v4 =	vld [tilespmem:s21+$0x8030]  }
0x1e: {  	[tilespmem:s21+$0x70] =	vst.add.f32.msk $0xffff, v0  }
0x1f: {  	v0 =	vld [tilespmem:s21+$0x8040]  }
0x20: {  	v5 =	vld [tilespmem:s21+$0x8050]  }
0x21: {  	v6 =	vld [tilespmem:s21+$0x8060]  }
0x22: {  	[tilespmem:s21+$0x0] =	vst.add.f32.msk $0xffff, v1  }
0x23: {  	[tilespmem:s21+$0x10] =	vst.add.f32.msk $0xffff, v2  }
.Ltmp0:
0x24: {  	[tilespmem:s21+$0x20] =	vst.add.f32.msk $0xffff, v3;
	(pc) =	sbr.rel @p0 .LBB2_2-.Ltmp0, $4  }
0x25: {  	[tilespmem:s21+$0x30] =	vst.add.f32.msk $0xffff, v4  }
0x26: {  	[tilespmem:s21+$0x40] =	vst.add.f32.msk $0xffff, v0  }
0x27: {  	[tilespmem:s21+$0x50] =	vst.add.f32.msk $0xffff, v5  }
0x28: {  	[tilespmem:s21+$0x60] =	vst.add.f32.msk $0xffff, v6;
	s21 =	sshra.s32 s22, $0x2;
	s22 =	sadd.s32 $0x200, s22  }
0x29: {  	v0 =	vld [tilespmem:s21+$0x8070]  }
0x2a: {  	v1 =	vld [tilespmem:s21+$0x8000]  }
0x2b: {  	v2 =	vld [tilespmem:s21+$0x8010]  }
0x2c: {  	v3 =	vld [tilespmem:s21+$0x8020]  }
0x2d: {  	v4 =	vld [tilespmem:s21+$0x8030]  }
0x2e: {  	v63 =	vld [tilespmem:s21+$0x8040]  }
0x2f: {  	v5 =	vld [tilespmem:s21+$0x8050]  }
0x30: {  	v6 =	vld [tilespmem:s21+$0x8060]  }
0x31: {  	[tilespmem:s21+$0x70] =	vst.add.f32.msk $0xffff, v0  }
0x32: {  	[tilespmem:s21+$0x0] =	vst.add.f32.msk $0xffff, v1  }
0x33: {  	[tilespmem:s21+$0x10] =	vst.add.f32.msk $0xffff, v2  }
0x34: {  	[tilespmem:s21+$0x20] =	vst.add.f32.msk $0xffff, v3  }
0x35: {  	[tilespmem:s21+$0x30] =	vst.add.f32.msk $0xffff, v4  }
0x36: {  	[tilespmem:s21+$0x40] =	vst.add.f32.msk $0xffff, v63  }
0x37: {  	[tilespmem:s21+$0x50] =	vst.add.f32.msk $0xffff, v5  }
0x38: {  	s31 =	simm.s32 $0x0;
	[tilespmem:s21+$0x60] =	vst.add.f32.msk $0xffff, v6  }
0x39: {  	[hbm4b:s5+s31] =	stream.linear.scatter [tilespmem:s31], [sflag:$0x3], $0x4000, $0x38;
	[tilespmem:$0xC000] =	vst v63  }
0x3a: {  	_ =	swait.ge [sflag:s17], $0x4000  }
0x3b: {  	[sflag:s17] =	ssyncset.done $0x0  }
0x3c: {  	[sflag:s17] =	ssyncadd.s32 $0xFFFFC000  }
0x3d: {  	[tilespmem:s31], [sflag:$0x1] =	stream.linear.gather [hbm4b:s6+s31], $0x4000, $0x38;
	[tilespmem:$0xC000] =	vst v63  }
0x3e: {  	_ =	swait.ge [sflag:s18], $0x4000  }
0x3f: {  	[sflag:s18] =	ssyncset.done $0x0  }
0x40: {  	s22 =	simm.s32 $0x200;
	s21 =	simm.s32 $0x0;
	[sflag:s18] =	ssyncadd.s32 $0xFFFFC000  }
.LBB2_4:
0x41: {  	p0 =	sne.s32 s22, $0xFE00;
	v0 =	vld [tilespmem:s21+$0x8070]  }
0x42: {  	v1 =	vld [tilespmem:s21+$0x8000]  }
0x43: {  	v2 =	vld [tilespmem:s21+$0x8010]  }
0x44: {  	v3 =	vld [tilespmem:s21+$0x8020]  }
0x45: {  	v4 =	vld [tilespmem:s21+$0x8030]  }
0x46: {  	[tilespmem:s21+$0x4070] =	vst.add.f32.msk $0xffff, v0  }
0x47: {  	v0 =	vld [tilespmem:s21+$0x8040]  }
0x48: {  	v5 =	vld [tilespmem:s21+$0x8050]  }
0x49: {  	v6 =	vld [tilespmem:s21+$0x8060]  }
0x4a: {  	[tilespmem:s21+$0x4000] =	vst.add.f32.msk $0xffff, v1  }
0x4b: {  	[tilespmem:s21+$0x4010] =	vst.add.f32.msk $0xffff, v2  }
.Ltmp1:
0x4c: {  	[tilespmem:s21+$0x4020] =	vst.add.f32.msk $0xffff, v3;
	(pc) =	sbr.rel @p0 .LBB2_4-.Ltmp1, $4  }
0x4d: {  	[tilespmem:s21+$0x4030] =	vst.add.f32.msk $0xffff, v4  }
0x4e: {  	[tilespmem:s21+$0x4040] =	vst.add.f32.msk $0xffff, v0  }
0x4f: {  	[tilespmem:s21+$0x4050] =	vst.add.f32.msk $0xffff, v5  }
0x50: {  	[tilespmem:s21+$0x4060] =	vst.add.f32.msk $0xffff, v6;
	s21 =	sshra.s32 s22, $0x2;
	s22 =	sadd.s32 $0x200, s22  }
0x51: {  	v0 =	vld [tilespmem:s21+$0x8070]  }
0x52: {  	v1 =	vld [tilespmem:s21+$0x8000]  }
0x53: {  	v2 =	vld [tilespmem:s21+$0x8010]  }
0x54: {  	v3 =	vld [tilespmem:s21+$0x8020]  }
0x55: {  	v4 =	vld [tilespmem:s21+$0x8030]  }
0x56: {  	v63 =	vld [tilespmem:s21+$0x8040]  }
0x57: {  	v5 =	vld [tilespmem:s21+$0x8050]  }
0x58: {  	v6 =	vld [tilespmem:s21+$0x8060]  }
0x59: {  	[tilespmem:s21+$0x4070] =	vst.add.f32.msk $0xffff, v0  }
0x5a: {  	[tilespmem:s21+$0x4000] =	vst.add.f32.msk $0xffff, v1  }
0x5b: {  	[tilespmem:s21+$0x4010] =	vst.add.f32.msk $0xffff, v2  }
0x5c: {  	[tilespmem:s21+$0x4020] =	vst.add.f32.msk $0xffff, v3  }
0x5d: {  	[tilespmem:s21+$0x4030] =	vst.add.f32.msk $0xffff, v4  }
0x5e: {  	[tilespmem:s21+$0x4040] =	vst.add.f32.msk $0xffff, v63  }
0x5f: {  	[tilespmem:s21+$0x4050] =	vst.add.f32.msk $0xffff, v5  }
0x60: {  	s31 =	simm.s32 $0x0;
	[tilespmem:s21+$0x4060] =	vst.add.f32.msk $0xffff, v6  }
0x61: {  	[hbm4b:s7+s31] =	stream.linear.scatter [tilespmem:s14], [sflag:$0x4], $0x4000, $0x38;
	[tilespmem:$0xC000] =	vst v63  }
0x62: {  	_ =	swait.ge [sflag:s19], $0x4000  }
0x63: {  	[sflag:s19] =	ssyncset.done $0x0  }
0x64: {  	[sflag:s19] =	ssyncadd.s32 $0xFFFFC000  }
0x65: {  	[tilespmem:s14], [sflag:$0x2] =	stream.linear.gather [hbm4b:s8+s31], $0x4000, $0x38;
	[tilespmem:$0xC000] =	vst v63  }
0x66: {  	_ =	swait.ge [sflag:s16], $0x4000  }
0x67: {  	[sflag:s16] =	ssyncset.done $0x0  }
0x68: {  	s22 =	simm.s32 $0x200;
	s21 =	simm.s32 $0x0;
	[sflag:s16] =	ssyncadd.s32 $0xFFFFC000  }
.LBB2_6:
0x69: {  	p0 =	sne.s32 s22, $0xFE00;
	v0 =	vld [tilespmem:s21+$0x8070]  }
0x6a: {  	v1 =	vld [tilespmem:s21+$0x8000]  }
0x6b: {  	v2 =	vld [tilespmem:s21+$0x8010]  }
0x6c: {  	v3 =	vld [tilespmem:s21+$0x8020]  }
0x6d: {  	v4 =	vld [tilespmem:s21+$0x8030]  }
0x6e: {  	[tilespmem:s21+$0x70] =	vst.add.f32.msk $0xffff, v0  }
0x6f: {  	v0 =	vld [tilespmem:s21+$0x8040]  }
0x70: {  	v5 =	vld [tilespmem:s21+$0x8050]  }
0x71: {  	v6 =	vld [tilespmem:s21+$0x8060]  }
0x72: {  	[tilespmem:s21+$0x0] =	vst.add.f32.msk $0xffff, v1  }
0x73: {  	[tilespmem:s21+$0x10] =	vst.add.f32.msk $0xffff, v2  }
.Ltmp2:
0x74: {  	[tilespmem:s21+$0x20] =	vst.add.f32.msk $0xffff, v3;
	(pc) =	sbr.rel @p0 .LBB2_6-.Ltmp2, $4  }
0x75: {  	[tilespmem:s21+$0x30] =	vst.add.f32.msk $0xffff, v4  }
0x76: {  	[tilespmem:s21+$0x40] =	vst.add.f32.msk $0xffff, v0  }
0x77: {  	[tilespmem:s21+$0x50] =	vst.add.f32.msk $0xffff, v5  }
0x78: {  	[tilespmem:s21+$0x60] =	vst.add.f32.msk $0xffff, v6;
	s21 =	sshra.s32 s22, $0x2;
	s22 =	sadd.s32 $0x200, s22  }
0x79: {  	v0 =	vld [tilespmem:s21+$0x8070]  }
0x7a: {  	v1 =	vld [tilespmem:s21+$0x8000]  }
0x7b: {  	v2 =	vld [tilespmem:s21+$0x8010]  }
0x7c: {  	v3 =	vld [tilespmem:s21+$0x8020]  }
0x7d: {  	v4 =	vld [tilespmem:s21+$0x8030]  }
0x7e: {  	v63 =	vld [tilespmem:s21+$0x8040]  }
0x7f: {  	v5 =	vld [tilespmem:s21+$0x8050]  }
0x80: {  	v6 =	vld [tilespmem:s21+$0x8060]  }
0x81: {  	[tilespmem:s21+$0x70] =	vst.add.f32.msk $0xffff, v0  }
0x82: {  	[tilespmem:s21+$0x0] =	vst.add.f32.msk $0xffff, v1  }
0x83: {  	[tilespmem:s21+$0x10] =	vst.add.f32.msk $0xffff, v2  }
0x84: {  	[tilespmem:s21+$0x20] =	vst.add.f32.msk $0xffff, v3  }
0x85: {  	[tilespmem:s21+$0x30] =	vst.add.f32.msk $0xffff, v4  }
0x86: {  	[tilespmem:s21+$0x40] =	vst.add.f32.msk $0xffff, v63  }
0x87: {  	[tilespmem:s21+$0x50] =	vst.add.f32.msk $0xffff, v5  }
0x88: {  	s31 =	simm.s32 $0x0;
	[tilespmem:s21+$0x60] =	vst.add.f32.msk $0xffff, v6  }
0x89: {  	[hbm4b:s10+s31] =	stream.linear.scatter [tilespmem:s31], [sflag:$0x3], $0x4000, $0x38;
	[tilespmem:$0xC000] =	vst v63  }
0x8a: {  	_ =	swait.ge [sflag:s18], $0x4000  }
0x8b: {  	[sflag:s18] =	ssyncset.done $0x0  }
0x8c: {  	s22 =	simm.s32 $0x200;
	s21 =	simm.s32 $0x0;
	[sflag:s18] =	ssyncadd.s32 $0xFFFFC000  }
.LBB2_8:
0x8d: {  	p0 =	sne.s32 s22, $0xFE00;
	v0 =	vld [tilespmem:s21+$0x8070]  }
0x8e: {  	v1 =	vld [tilespmem:s21+$0x8000]  }
0x8f: {  	v2 =	vld [tilespmem:s21+$0x8010]  }
0x90: {  	v3 =	vld [tilespmem:s21+$0x8020]  }
0x91: {  	v4 =	vld [tilespmem:s21+$0x8030]  }
0x92: {  	[tilespmem:s21+$0x4070] =	vst.add.f32.msk $0xffff, v0  }
0x93: {  	v0 =	vld [tilespmem:s21+$0x8040]  }
0x94: {  	v5 =	vld [tilespmem:s21+$0x8050]  }
0x95: {  	v6 =	vld [tilespmem:s21+$0x8060]  }
0x96: {  	[tilespmem:s21+$0x4000] =	vst.add.f32.msk $0xffff, v1  }
0x97: {  	[tilespmem:s21+$0x4010] =	vst.add.f32.msk $0xffff, v2  }
.Ltmp3:
0x98: {  	[tilespmem:s21+$0x4020] =	vst.add.f32.msk $0xffff, v3;
	(pc) =	sbr.rel @p0 .LBB2_8-.Ltmp3, $4  }
0x99: {  	[tilespmem:s21+$0x4030] =	vst.add.f32.msk $0xffff, v4  }
0x9a: {  	[tilespmem:s21+$0x4040] =	vst.add.f32.msk $0xffff, v0  }
0x9b: {  	[tilespmem:s21+$0x4050] =	vst.add.f32.msk $0xffff, v5  }
0x9c: {  	[tilespmem:s21+$0x4060] =	vst.add.f32.msk $0xffff, v6;
	s21 =	sshra.s32 s22, $0x2;
	s22 =	sadd.s32 $0x200, s22  }
0x9d: {  	v0 =	vld [tilespmem:s21+$0x8070]  }
0x9e: {  	v1 =	vld [tilespmem:s21+$0x8000]  }
0x9f: {  	v2 =	vld [tilespmem:s21+$0x8010]  }
0xa0: {  	v3 =	vld [tilespmem:s21+$0x8020]  }
0xa1: {  	v4 =	vld [tilespmem:s21+$0x8030]  }
0xa2: {  	v63 =	vld [tilespmem:s21+$0x8040]  }
0xa3: {  	v5 =	vld [tilespmem:s21+$0x8050]  }
0xa4: {  	v6 =	vld [tilespmem:s21+$0x8060]  }
0xa5: {  	[tilespmem:s21+$0x4070] =	vst.add.f32.msk $0xffff, v0  }
0xa6: {  	[tilespmem:s21+$0x4000] =	vst.add.f32.msk $0xffff, v1  }
0xa7: {  	[tilespmem:s21+$0x4010] =	vst.add.f32.msk $0xffff, v2  }
0xa8: {  	[tilespmem:s21+$0x4020] =	vst.add.f32.msk $0xffff, v3  }
0xa9: {  	[tilespmem:s21+$0x4030] =	vst.add.f32.msk $0xffff, v4  }
0xaa: {  	[tilespmem:s21+$0x4040] =	vst.add.f32.msk $0xffff, v63  }
0xab: {  	[tilespmem:s21+$0x4050] =	vst.add.f32.msk $0xffff, v5  }
0xac: {  	s20 =	sadd.s32 $0x1, s20;
	[tilespmem:s21+$0x4060] =	vst.add.f32.msk $0xffff, v6  }
0xad: {  	[hbm4b:s11+s2] =	stream.linear.scatter [tilespmem:s14], [sflag:$0x4], $0x4000, $0x38;
	[tilespmem:$0xC000] =	vst v63  }
0xae: {  	p0 =	sne.s32 s20, s12;
	_ =	swait.ge [sflag:s17], $0x4000  }
.Ltmp4:
0xaf: {  	[sflag:s17] =	ssyncset.done $0x0;
	(pc) =	sbr.rel @p0 .LBB2_1-.Ltmp4, $4  }
0xb0: {  	[sflag:s17] =	ssyncadd.s32 $0xFFFFC000  }
0xb1: {  	_ =	swait.ge [sflag:s19], $0x4000  }
0xb2: {  	[sflag:s19] =	ssyncset.done $0x0  }
0xb3: {  	[sflag:s19] =	ssyncadd.s32 $0xFFFFC000  }
0xb4: {  	_ =	sfence.sel $0x180000  }
0xb5: {  	[bflag:$0x0] =	sbarrier.arrive $0xFFFF  }
0xb6: {  	p0 =	sne.s32 s1, $0x0;
	_ =	strace $0x9000004A  }
0xb7: {  	s0 =	sadd.s32 @!p0 $0x100000, s0;
	[bflag:$0x2] =	sbarrier.arrive $0xFFFF  }
0xb8: {  	[sflag:s0] =	ssyncadd.tile.s32 @!p0 $0x1;
	_ =	shalt  }
.Lfunc_end2:
_tile_overlayer_lowered:
.L_overlay_start_2:
0xb9: {  	(tag) =	ssettag $0x2  }
0xba: {  	s0 =	rddreg [dreg:$0x0];
	s2 =	stileid.u32  }
0xbb: {  	s1 =	rddreg [dreg:$0x1];
	p0 =	sne.s32 s2, $0x0  }
0xbc: {  	s3 =	rddreg [dreg:$0x2];
	[bflag:$0x3] =	sbarrier.arrive $0xFFFF;
	s2 =	simm.s32 @!p0 $0x1C06  }
0xbd: {  	[timem:s3], [sflag:s2] =	dma.local @!p0 [hbm:s0], s1  }
0xbe: {  	s0 =	simm.s32 @!p0 $0x6  }
0xbf: {  	_ =	swait.ge @!p0 [sflag:s0], s1  }
0xc0: {  	s1 =	ssub.s32 @!p0 $0x0, s1;
	[sflag:s0] =	ssyncset.done @!p0 $0x0  }
0xc1: {  	[sflag:s0] =	ssyncadd.s32 @!p0 s1  }
0xc2: {  	[bflag:$0x3] =	sbarrier.arrive $0xFFFF  }
0xc3: {  	_ =	shalt  }

// kernel: sparse-core-data-format-call.cloned.1.call-start
scs
called_computation_lowered:
.L_overlay_start_0:
0x0: {  	s2 =	sld [smem:$0x3FD9]  }
0x1: {  	s3 =	sld [smem:$0x3FFE];
	_ =	sdelay $0x1  }
0x2: {  	s1 =	srdreg.scid  }
0x3: {  	s0 =	sand.u32 $0x1, s1  }
0x4: {  	s18 =	sshll.u32 s0, $0xA;
	s2 =	sadd.s32 s3, s2  }
0x5: {  	s2 =	sadd.s32 s2, s18  }
0x6: {  	[smem:$0x3FC6] =	sst s2  }
0x7: {  	_ = 	snop  }
0x8: {  	s2 =	sld [smem:$0x3FC9];
	(tm) =	ssettm $0x1  }
0x9: {  	s19 =	sld [smem:$0x3FFB];
	_ =	sdelay $0x3  }
0xa: {  	_ =	strace s19  }
0xb: {  	s3 =	sld [smem:$0x3FFC];
	_ =	sdelay $0x3  }
0xc: {  	_ =	strace s3  }
0xd: {  	s3 =	sld [smem:$0x3FFD];
	_ =	sdelay $0x3  }
0xe: {  	_ =	strace s3  }
0xf: {  	_ =	strace $0x8FFFFFFF  }
0x10: {  	s20 =	sld [smem:$0x3FDB];
	_ =	sdelay $0x1  }
0x11: {  	s4 =	simm.s32 $_scs_section_size  }
0x12: {  	s5 =	simm.s32 $_size__tile_overlayer_lowered;
	s6 =	simm.s32 $_tile_overlayer_lowered  }
0x13: {  	s23 =	simm.s32 $0x1BFF;
	s22 =	sshll.u32 s6, $0x1;
	s3 =	sadd.s32 s4, s20  }
0x14: {  	s7 =	simm.s32 $0x0;
	s21 =	sshll.u32 s5, $0x1;
	s5 =	sadd.s32 s22, s3  }
0x15: {  	[timem:s7], [sflag:s23] =	dma.local [hbm:s5], s21  }
0x16: {  	_ =	swait.ge [sflag:s23], s21  }
0x17: {  	s4 =	ssub.s32 $0x0, s21;
	[sflag:s23] =	ssyncset.done $0x0  }
0x18: {  	[sflag:s23] =	ssyncadd.s32 s4;
	_ =	sdelay $0x1  }
0x19: {  	s24 =	simm.s32 $0x1B8B  }
0x1a: {  	_ =	swait.ge [sflag:s24], $0x1  }
0x1b: {  	[sflag:s24] =	ssyncset.done $0x0  }
0x1c: {  	s26 =	simm.s32 $0x1B8E;
	s25 =	sld [smem:$0x3FFE];
	[sflag:s24] =	ssyncadd.s32 $0xFFFFFFFF  }
0x1d: {  	s27 =	simm.s32 $execute0_lowered;
	[smem:$0x3FD2] =	sst s26  }
0x1e: {  	s5 =	sshll.u32 s27, $0x1;
	_ =	strace $0x80000046;
	[dreg:$0x1] =	wrdreg $0xFFFFFFFF  }
0x1f: {  	s28 =	simm.s32 $_size_execute0_lowered;
	s3 =	sadd.s32 s3, s5;
	[dreg:$0x0] =	wrdreg $0x0  }
0x20: {  	s5 =	sshll.u32 s28, $0x1;
	[dreg:$0x2] =	wrdreg s3  }
0x21: {  	[dreg:$0x3] =	wrdreg s5  }
0x22: {  	[dreg:$0x4] =	wrdreg $0xC0  }
0x23: {  	_ =	task [dreg:s7], $0x5FFFF  }
0x24: {  	[dreg:$0x1] =	wrdreg $0xFFFFFFFF  }
0x25: {  	[dreg:$0x0] =	wrdreg $0x60  }
0x26: {  	[dreg:$0x2] =	wrdreg s2  }
0x27: {  	[dreg:$0x3] =	wrdreg s25  }
0x28: {  	[dreg:$0x4] =	wrdreg $0x9  }
0x29: {  	_ =	task.clear_ibuf [dreg:s7], $0x5FFFF;
	_ =	strace $0x90000046  }
0x2a: {  	s29 =	simm.s32 $0x9;
	_ =	strace $0x80000048  }
0x2b: {  	_ =	swait.ge [sflag:s29], $0x1  }
0x2c: {  	[sflag:s29] =	ssyncadd.s32 $0xFFFFFFFF  }
0x2d: {  	_ =	strace $0x90000048  }
0x2e: {  	_ =	sfence  }
0x2f: {  	s30 =	sld [smem:$0x0];
	_ =	sdelay $0x2  }
0x30: {  	s31 =	sshll.u32 s1, $0xD;
	s1 =	sshrl.u32 s1, $0x2  }
0x31: {  	s3 =	sand.u32 $0x4000, s31;
	s1 =	sadd.s32 s1, s30  }
0x32: {  	s0 =	sor.u32 s3, s0;
	s1 =	sshll.u32 s1, $0x11  }
0x33: {  	s0 =	sor.u32 s1, s0  }
0x34: {  	s0 =	sadd.s32 $0x8F2B, s0  }
0x35: {  	[sflag:s0] =	ssyncadd.remote.s32 $0x1  }
0x36: {  	_ =	sfence.sel $0xFFFF  }
0x37: {  	[dreg:$0x0] =	wrdreg $0xFFFFFFFF;
	(pc) =	sbr.abs _section_cstart, $3  }
0x38: {  	[dreg:$0x1] =	wrdreg $0xFFFFFFFF  }
0x39: {  	_ =	task.clear_ibuf [dreg:s7], $0x2FFFF;
	_ =	strace $0x9FFFFFFF  }
0x3a: {  	(tm) =	ssettm $0x7FFFFFFF  }
0x3b: {  	_ =	shalt  }
tec
execute0_lowered:
.L_overlay_start_1:
0x0: {  	(tag) =	ssettag $0x1  }
0x1: {  	s0 =	srdreg.scid  }
0x2: {  	s1 =	sshll.u32 s0, $0x4  }
0x3: {  	s2 =	rddreg [dreg:$0x0];
	s0 =	stileid.u32;
	s1 =	sand.u32 $0x10, s1  }
0x4: {  	s4 =	rddreg [dreg:$0x1];
	s7 =	simm.s32 $0x1;
	s1 =	sor.u32 s0, s1  }
0x5: {  	s8 =	simm.s32 $0x2;
	s9 =	simm.s32 $0x0;
	s3 =	sshll.u32 s1, $0x1  }
0x6: {  	s12 =	simm.s32 $0x0;
	s11 =	simm.s32 $0x0;
	s6 =	ssub.s32 $0x800, s3  }
.Ltmp0:
0x7: {  	s4 =	sadd.s32 $0xA00, s4;
	s5 =	sand.u32 $0x3E, s6;
	(pc) =	sbr.rel .LBB1_1-.Ltmp0, $4  }
0x8: {  	s1 =	rddreg [dreg:$0x2];
	_ =	strace $0x80000047;
	p0 =	sne.s32 s5, $0x0  }
0x9: {  	s6 =	sshrl.u32 s6, $0x6;
	s5 =	simm.s32 $0x1;
	s7 =	simm.s32 @!p0 $0x0  }
0xa: {  	s10 =	smov.u32 s3;
	[sflag:s5] =	ssyncpa.u1 $0x0;
	s6 =	sadd.s32 s7, s6  }
0xb: {  	[sflag:s8] =	ssyncpa.u1 $0x0;
	s8 =	simm.s32 $0x0;
	s7 =	sadd.s32 $0x1, s6  }
.LBB1_9:
0xc: {  	s14 =	sadd.s32 $0x40, s10  }
0xd: {  	p1 =	sgt.s32 s14, $0x7FF  }
0xe: {  	s14 =	smov.u32 @p1 s3;
	p1 =	sne.s32 s11, s7  }
.Ltmp1:
0xf: {  	p0 =	slt.u32 s11, $0x2;
	(pc) =	sbr.rel @!p1 .LBB1_10-.Ltmp1, $4  }
0x10: {  	s13 =	simm.s32 @!p0 $0x2  }
0x11: {  	s15 =	sadd.s32 $0x1, s11;
	_ =	swait.ge @!p0 [sflag:s13], $0x4000  }
0x12: {  	s12 =	smov.u32 s10;
	s9 =	sadd.s32 $0x4000, s9;
	[sflag:s13] =	ssyncset.done @!p0 $0x0  }
0x13: {  	s11 =	smov.u32 s15;
	s10 =	smov.u32 s14;
	[sflag:s13] =	ssyncadd.s32 @!p0 $0xFFFFC000  }
.LBB1_1:
0x14: {  	p0 =	sge.u32 s11, s6  }
0x15: {  	s13 =	sxor.u32 @!p0 $0xFFFFFFFF, s11  }
0x16: {  	s31 =	sadd.s32 $0xFFFFFFFF, s11;
	s14 =	sshll.u32 @!p0 s10, $0xA;
	s13 =	sshll.u32 @!p0 s13, $0xE  }
0x17: {  	s15 =	simm.s32 @!p0 $0x0;
	s14 =	sadd.s32 @!p0 s2, s14;
	s13 =	sand.u32 @!p0 $0x4000, s13  }
0x18: {  	[tilespmem:s13], [sflag:$0x1] =	stream.linear.gather @!p0 [hbm4b:s14+s15], $0x4000, $0x38;
	[tilespmem:$0x10000] =	vst v63  }
0x19: {  	p0 =	sge.u32 s31, s6  }
.Ltmp2:
0x1a: {  	_ = 	snop;
	(pc) =	sbr.rel @p0 .LBB1_9-.Ltmp2, $1  }
0x1b: {  	_ =	sdelay $0x3  }
0x1c: {  	s13 =	sshll.u32 s9, $0x2  }
0x1d: {  	_ =	swait.ge [sflag:s5], $0x4000;
	s14 =	sshll.u32 s11, $0xE;
	s16 =	simm.s32 $0x0  }
0x1e: {  	p1 =	por $0x1, $0x1;
	s13 =	sand.u32 $0x10000, s13;
	[sflag:s5] =	ssyncset.done $0x0  }
0x1f: {  	s14 =	sand.u32 $0x4000, s14;
	s15 =	sshrl.u32 s13, $0x2;
	[sflag:s5] =	ssyncadd.s32 $0xFFFFC000  }
0x20: {  	s13 =	sor.u32 $0x8000, s14;
	s14 =	sadd.s32 $0x8040, s15;
	s15 =	sadd.s32 $0x40, s15  }
.LBB1_3:
0x21: {  	s16 =	sshll.u32 s16, $0x2  }
0x22: {  	p0 =	por p1, p1;
	s17 =	sshra.s32 s16, $0x2  }
0x23: {  	s18 =	simm.s32 $0x0;
	s16 =	sadd.s32 s17, s14;
	s17 =	sadd.s32 s17, s15  }
.LBB1_4:
0x24: {  	v0 =	vmov s17;
	_ =	sdelay $0x3  }
0x25: {  	s20 =	simm.s32 $0x0  }
0x26: {  	v6 =	vld.idx.msk [tilespmem:v0+s20+$0x30 ss:$0x1], $0xffff  }
0x27: {  	v7 =	vld.idx.msk [tilespmem:v0+s20+$0xFFFFFFC0 ss:$0x1], $0xffff  }
0x28: {  	v5 =	vld.idx.msk [tilespmem:v0+s20+$0xFFFFFFD0 ss:$0x1], $0xffff  }
0x29: {  	v4 =	vld.idx.msk [tilespmem:v0+s20+$0xFFFFFFE0 ss:$0x1], $0xffff  }
0x2a: {  	v3 =	vld.idx.msk [tilespmem:v0+s20+$0xFFFFFFF0 ss:$0x1], $0xffff  }
0x2b: {  	v1 =	vld.idx.msk [tilespmem:v0+s20+$0x0 ss:$0x1], $0xffff  }
0x2c: {  	v2 =	vld.idx.msk [tilespmem:v0+s20+$0x10 ss:$0x1], $0xffff;
	[tilespmem:s16+$0x30] =	vst v6  }
0x2d: {  	s19 =	simm.s32 $0x80;
	s21 =	simm.s32 $0x400;
	[tilespmem:s16+$0xFFFFFFC0] =	vst v7;
	v6 =	vld.idx.msk [tilespmem:v0+s20+$0x20 ss:$0x1], $0xffff;
	s20 =	smov.u32 s16  }
.LBB1_5:
0x2e: {  	p1 =	sne.s32 s21, $0xE00;
	v7 =	vld.idx.msk [tilespmem:v0+s19+$0x30 ss:$0x1], $0xffff;
	[tilespmem:s20+$0xFFFFFFD0] =	vst v5  }
0x2f: {  	v8 =	vld.idx.msk [tilespmem:v0+s19+$0xFFFFFFC0 ss:$0x1], $0xffff;
	[tilespmem:s20+$0xFFFFFFE0] =	vst v4  }
0x30: {  	v5 =	vld.idx.msk [tilespmem:v0+s19+$0xFFFFFFD0 ss:$0x1], $0xffff;
	[tilespmem:s20+$0xFFFFFFF0] =	vst v3  }
.Ltmp3:
0x31: {  	v4 =	vld.idx.msk [tilespmem:v0+s19+$0xFFFFFFE0 ss:$0x1], $0xffff;
	[tilespmem:s20+$0x0] =	vst v1;
	(pc) =	sbr.rel @p1 .LBB1_5-.Ltmp3, $4  }
0x32: {  	v3 =	vld.idx.msk [tilespmem:v0+s19+$0xFFFFFFF0 ss:$0x1], $0xffff;
	[tilespmem:s20+$0x10] =	vst v2  }
0x33: {  	v1 =	vld.idx.msk [tilespmem:v0+s19+$0x0 ss:$0x1], $0xffff;
	[tilespmem:s20+$0x20] =	vst v6;
	s20 =	sadd.s32 $0x400, s20  }
0x34: {  	v2 =	vld.idx.msk [tilespmem:v0+s19+$0x10 ss:$0x1], $0xffff;
	[tilespmem:s20+$0x30] =	vst v7  }
0x35: {  	[tilespmem:s20+$0xFFFFFFC0] =	vst v8;
	v6 =	vld.idx.msk [tilespmem:v0+s19+$0x20 ss:$0x1], $0xffff;
	s19 =	sshra.s32 s21, $0x2;
	s21 =	sadd.s32 $0x200, s21  }
0x36: {  	_ =	sdelay $0x2  }
0x37: {  	[tilespmem:s20+$0xFFFFFFD0] =	vst v5  }
0x38: {  	v56 =	vld.idx.msk [tilespmem:v0+s19+$0x30 ss:$0x1], $0xffff;
	[tilespmem:s20+$0xFFFFFFE0] =	vst v4  }
0x39: {  	v57 =	vld.idx.msk [tilespmem:v0+s19+$0xFFFFFFC0 ss:$0x1], $0xffff;
	[tilespmem:s20+$0xFFFFFFF0] =	vst v3  }
0x3a: {  	v58 =	vld.idx.msk [tilespmem:v0+s19+$0xFFFFFFD0 ss:$0x1], $0xffff;
	[tilespmem:s20+$0x0] =	vst v1  }
0x3b: {  	v59 =	vld.idx.msk [tilespmem:v0+s19+$0xFFFFFFE0 ss:$0x1], $0xffff;
	[tilespmem:s20+$0x10] =	vst v2  }
0x3c: {  	v60 =	vld.idx.msk [tilespmem:v0+s19+$0xFFFFFFF0 ss:$0x1], $0xffff;
	s31 =	sadd.s32 $0x400, s20;
	[tilespmem:s20+$0x20] =	vst v6  }
0x3d: {  	v61 =	vld.idx.msk [tilespmem:v0+s19+$0x0 ss:$0x1], $0xffff;
	[tilespmem:s31+$0x30] =	vst v56  }
0x3e: {  	v62 =	vld.idx.msk [tilespmem:v0+s19+$0x10 ss:$0x1], $0xffff;
	s18 =	sadd.s32 $0x1, s18;
	[tilespmem:s31+$0xFFFFFFC0] =	vst v57  }
0x3f: {  	v63 =	vld.idx.msk [tilespmem:v0+s19+$0x20 ss:$0x1], $0xffff;
	p1 =	sne.s32 s18, $0x8;
	[tilespmem:s31+$0xFFFFFFD0] =	vst v58  }
.Ltmp4:
0x40: {  	[tilespmem:s31+$0xFFFFFFE0] =	vst v59;
	(pc) =	sbr.rel @p1 .LBB1_4-.Ltmp4, $4  }
0x41: {  	[tilespmem:s31+$0xFFFFFFF0] =	vst v60  }
0x42: {  	[tilespmem:s31+$0x0] =	vst v61  }
0x43: {  	[tilespmem:s31+$0x10] =	vst v62  }
0x44: {  	s16 =	sadd.s32 $0x80, s16;
	s17 =	sadd.s32 $0x400, s17;
	[tilespmem:s31+$0x20] =	vst v63  }
.Ltmp5:
0x45: {  	(pc) =	sbr.rel @p0 .LBB1_3-.Ltmp5, $2  }
0x46: {  	_ =	sdelay $0x2  }
0x47: {  	s16 =	simm.s32 $0x2000;
	p1 =	por $0x0, $0x0  }
.Ltmp6:
0x48: {  	(pc) =	sbr.rel .LBB1_9-.Ltmp6, $4  }
0x49: {  	_ = 	snop  }
0x4a: {  	s12 =	sshll.u32 s12, $0xA  }
0x4b: {  	s12 =	sadd.s32 s4, s12  }
0x4c: {  	[hbm4b:s12+s8] =	stream.linear.scatter [tilespmem:s13], [sflag:$0x2], $0x4000, $0x38;
	[tilespmem:$0x10000] =	vst v63  }
.LBB1_10:
0x4d: {  	_ =	sfence.sel $0x180000  }
0x4e: {  	s2 =	simm.s32 $0x1;
	[bflag:$0x0] =	sbarrier.arrive $0xFFFF  }
0x4f: {  	s31 =	simm.s32 $0x2;
	[sflag:s2] =	ssyncpa.u1 $0x1  }
0x50: {  	[sflag:s31] =	ssyncpa.u1 $0x1  }
0x51: {  	p0 =	sne.s32 s0, $0x0;
	_ =	strace $0x90000047  }
0x52: {  	s0 =	sadd.s32 @!p0 $0x100000, s1;
	[bflag:$0x2] =	sbarrier.arrive $0xFFFF  }
0x53: {  	[sflag:s0] =	ssyncadd.tile.s32 @!p0 $0x1;
	_ =	shalt  }
.Lfunc_end1:
_tile_overlayer_lowered:
.L_overlay_start_2:
0x54: {  	(tag) =	ssettag $0x2  }
0x55: {  	s0 =	rddreg [dreg:$0x0];
	s2 =	stileid.u32  }
0x56: {  	s1 =	rddreg [dreg:$0x1];
	p0 =	sne.s32 s2, $0x0  }
0x57: {  	s3 =	rddreg [dreg:$0x2];
	[bflag:$0x3] =	sbarrier.arrive $0xFFFF;
	s2 =	simm.s32 @!p0 $0x1C01  }
0x58: {  	[timem:s3], [sflag:s2] =	dma.local @!p0 [hbm:s0], s1  }
0x59: {  	s0 =	simm.s32 @!p0 $0x1  }
0x5a: {  	_ =	swait.ge @!p0 [sflag:s0], s1  }
0x5b: {  	s1 =	ssub.s32 @!p0 $0x0, s1;
	[sflag:s0] =	ssyncset.done @!p0 $0x0  }
0x5c: {  	[sflag:s0] =	ssyncadd.s32 @!p0 s1  }
0x5d: {  	[bflag:$0x3] =	sbarrier.arrive $0xFFFF  }
0x5e: {  	_ =	shalt  }

</sc_bundles>
